<compile_context>
chip_gen: v7x
topology: tpu7x:2x2x1
jax: 0.10.2.dev20260603
libtpu: 0.0.44.dev20260713+nightly
codegen_flags: <defaults>
</compile_context>

<pallas_src>
import functools

import jax
import jax.numpy as jnp
from jax import lax
from jax.experimental import pallas as pl
from jax.experimental.pallas import tpu as pltpu
from jax.experimental.pallas import tpu_sc as plsc

N_NODES = 10000
D = 256
E_POS = 160000
E_NEG = 800000
E_TOT = E_POS + E_NEG

_NC = 2
_NS = 16
_NW = _NC * _NS
_PER_W = E_TOT // _NW
_CH = 120
_N_CHUNKS = _PER_W // _CH


def _tables_body(z_ref, w1t_ref, w1b_ref, b1_ref, p_ref, q_ref):
    zb = z_ref[...]
    p_ref[...] = (
        jnp.dot(zb, w1t_ref[...], preferred_element_type=jnp.float32) + b1_ref[...]
    )
    q_ref[...] = jnp.dot(zb, w1b_ref[...], preferred_element_type=jnp.float32)


def _make_tables(z, w1t, w1b, b1row):
    blk = 1000
    grid = N_NODES // blk
    return pl.pallas_call(
        _tables_body,
        grid=(grid,),
        in_specs=[
            pl.BlockSpec((blk, D), lambda i: (i, 0)),
            pl.BlockSpec((D, D), lambda i: (0, 0)),
            pl.BlockSpec((D, D), lambda i: (0, 0)),
            pl.BlockSpec((1, D), lambda i: (0, 0)),
        ],
        out_specs=[
            pl.BlockSpec((blk, D), lambda i: (i, 0)),
            pl.BlockSpec((blk, D), lambda i: (i, 0)),
        ],
        out_shape=[
            jax.ShapeDtypeStruct((N_NODES, D), jnp.float32),
            jax.ShapeDtypeStruct((N_NODES, D), jnp.float32),
        ],
    )(z, w1t, w1b, b1row)


def _gather_body(p_hbm, q_hbm, src_hbm, dst_hbm, out_hbm,
                 sidx, didx, prow, qrow, psem, qsem):
    wid = lax.axis_index("s") * _NC + lax.axis_index("c")
    base = wid * _PER_W

    def chunk(ci, carry):
        off = base + ci * _CH
        pltpu.sync_copy(src_hbm.at[pl.ds(off, _CH)], sidx)
        pltpu.sync_copy(dst_hbm.at[pl.ds(off, _CH)], didx)
        cp = pltpu.async_copy(p_hbm.at[sidx], prow, psem)
        cq = pltpu.async_copy(q_hbm.at[didx], qrow, qsem)
        cp.wait()
        cq.wait()

        def row_add(r, c2):
            for j in range(D // 16):
                s = pl.ds(j * 16, 16)
                prow[r, s] = prow[r, s] + qrow[r, s]
            return c2

        lax.fori_loop(0, _CH, row_add, 0)
        pltpu.sync_copy(prow, out_hbm.at[pl.ds(off, _CH)])
        return carry

    lax.fori_loop(0, _N_CHUNKS, chunk, 0)


def _gather_add(p, q, src, dst):
    mesh = plsc.VectorSubcoreMesh(core_axis_name="c", subcore_axis_name="s")
    fn = pl.kernel(
        _gather_body,
        out_type=jax.ShapeDtypeStruct((E_TOT, D), jnp.float32),
        mesh=mesh,
        scratch_types=[
            pltpu.VMEM((_CH,), jnp.int32),
            pltpu.VMEM((_CH,), jnp.int32),
            pltpu.VMEM((_CH, D), jnp.float32),
            pltpu.VMEM((_CH, D), jnp.float32),
            pltpu.SemaphoreType.DMA,
            pltpu.SemaphoreType.DMA,
        ],
    )
    return fn(p, q, src, dst)


_BE = 1600
_N_BLK = E_TOT // _BE
_POS_BLK = E_POS // _BE


def _loss_body(s_ref, w2_ref, b2_ref, w3_ref, b3_ref, out_ref):
    i = pl.program_id(0)
    x = jnp.maximum(s_ref[...], 0.0)
    h = jnp.maximum(
        jnp.dot(x, w2_ref[...], preferred_element_type=jnp.float32) + b2_ref[...],
        0.0,
    )
    logit = jnp.sum(h * w3_ref[...], axis=1, keepdims=True) + b3_ref[0, 0]
    sign = jnp.where(i < _POS_BLK, -1.0, 1.0)
    w = jnp.where(i < _POS_BLK, 0.5 / E_POS, 0.5 / E_NEG)
    y = sign * logit
    sp = jnp.maximum(y, 0.0) + jnp.log1p(jnp.exp(-jnp.abs(y)))
    blk = jnp.sum(sp) * w

    @pl.when(i == 0)
    def _():
        out_ref[0, 0] = 0.0

    out_ref[0, 0] += blk


def _loss(s, w2, b2row, w3row, b3m):
    return pl.pallas_call(
        _loss_body,
        grid=(_N_BLK,),
        in_specs=[
            pl.BlockSpec((_BE, D), lambda i: (i, 0)),
            pl.BlockSpec((D, D // 2), lambda i: (0, 0)),
            pl.BlockSpec((1, D // 2), lambda i: (0, 0)),
            pl.BlockSpec((1, D // 2), lambda i: (0, 0)),
            pl.BlockSpec(memory_space=pltpu.SMEM),
        ],
        out_specs=pl.BlockSpec(memory_space=pltpu.SMEM),
        out_shape=jax.ShapeDtypeStruct((1, 1), jnp.float32),
    )(s, w2, b2row, w3row, b3m)


def kernel(z, edge_index, neg_edge_index, W1, b1, W2, b2, W3, b3):
    src = jnp.concatenate([edge_index[0], neg_edge_index[0]]).astype(jnp.int32)
    dst = jnp.concatenate([edge_index[1], neg_edge_index[1]]).astype(jnp.int32)
    w1t = W1[:D]
    w1b = W1[D:]
    p, q = _make_tables(z, w1t, w1b, b1.reshape(1, D))
    s = _gather_add(p, q, src, dst)
    out = _loss(s, W2, b2.reshape(1, D // 2), W3.reshape(1, D // 2),
                b3.reshape(1, 1))
    return out[0, 0]

# --- scband reference (transcript-rebuilt; emitter-appended) ---
"""Pipeline reference for scband-edge-reconstruction-loss-558345749072 (READ-ONLY COPY).

The authoritative reference and input builder live on the scoring server;
editing this copy changes nothing except your own understanding.
"""

import jax, jax.numpy as jnp
import numpy as np

N_NODES = 10000
D = 256
N_EDGES = 160000
NEG_RATIO = 5


def setup_inputs(seed: int = 0) -> dict:
    key = jax.random.key(seed)
    k_z, k_e, k_ne, k_w1, k_b1, k_w2, k_b2, k_w3, k_b3 = jax.random.split(key, 9)
    z = jax.random.normal(k_z, (N_NODES, D), dtype=jnp.float32)
    edge_index = jax.random.randint(k_e, (2, N_EDGES), 0, N_NODES, dtype=jnp.int64)
    neg_edge_index = jax.random.randint(k_ne, (2, N_EDGES * NEG_RATIO), 0, N_NODES, dtype=jnp.int64)
    # MLP decoder params (Linear(2h,h) -> ReLU -> Linear(h,h//2) -> ReLU -> Linear(h//2,1))
    h = D
    W1 = jax.random.normal(k_w1, (2 * h, h), dtype=jnp.float32) * 0.05
    b1 = jnp.zeros((h,), dtype=jnp.float32)
    W2 = jax.random.normal(k_w2, (h, h // 2), dtype=jnp.float32) * 0.05
    b2 = jnp.zeros((h // 2,), dtype=jnp.float32)
    W3 = jax.random.normal(k_w3, (h // 2, 1), dtype=jnp.float32) * 0.05
    b3 = jnp.zeros((1,), dtype=jnp.float32)
    return {"z": z, "edge_index": edge_index, "neg_edge_index": neg_edge_index,
            "W1": W1, "b1": b1, "W2": W2, "b2": b2, "W3": W3, "b3": b3}


def reference(z, edge_index, neg_edge_index, W1, b1, W2, b2, W3, b3):
    # Single homogeneous node/edge type; negatives pre-sampled for determinism.
    def decode(src_idx, dst_idx):
        src = jnp.take(z, src_idx, axis=0)          # gather [E, D]
        dst = jnp.take(z, dst_idx, axis=0)          # gather [E, D]
        concat = jnp.concatenate([src, dst], axis=-1)
        hdn = jax.nn.relu(concat @ W1 + b1)
        hdn = jax.nn.relu(hdn @ W2 + b2)
        return (hdn @ W3 + b3).squeeze(-1)          # logits [E]

    pos_pred = decode(edge_index[0], edge_index[1])
    neg_pred = decode(neg_edge_index[0], neg_edge_index[1])
    # BCE-with-logits, target=1 -> softplus(-x); target=0 -> softplus(x)
    pos_loss = jnp.mean(jax.nn.softplus(-pos_pred))
    neg_loss = jnp.mean(jax.nn.softplus(neg_pred))
    edge_loss = (pos_loss + neg_loss) / 2.0
    total_loss = edge_loss  # single edge type -> mean over 1 type
    return total_loss

if __name__ == "__main__":
    import jax
    _d = setup_inputs()
    print(jax.jit(kernel)(*tuple(_d.values())))

</pallas_src>

<mosaic_0001>
#map = affine_map<(d0, d1) -> (0, 0)>
#map1 = affine_map<(d0, d1) -> (0)>
module attributes {stable_mosaic.version = 14 : i64} {
  func.func @_gather_body(%arg0: i32, %arg1: i32, %arg2: memref<10000x256xf32, #tpu.memory_space<hbm>>, %arg3: memref<10000x256xf32, #tpu.memory_space<hbm>>, %arg4: memref<960000xi32, #tpu.memory_space<hbm>>, %arg5: memref<960000xi32, #tpu.memory_space<hbm>>, %arg6: memref<960000x256xf32, #tpu.memory_space<hbm>>, %arg7: memref<120xi32, #tpu.memory_space<vmem>>, %arg8: memref<120xi32, #tpu.memory_space<vmem>>, %arg9: memref<120x256xf32, #tpu.memory_space<vmem>>, %arg10: memref<120x256xf32, #tpu.memory_space<vmem>>, %arg11: memref<!tpu.dma_semaphore, #tpu.memory_space<semaphore_mem>>, %arg12: memref<!tpu.dma_semaphore, #tpu.memory_space<semaphore_mem>>) attributes {dimension_semantics = [#tpu.dimension_semantics<core_parallel>, #tpu.dimension_semantics<subcore_parallel>], iteration_bounds = array<i64: 2, 16>, scalar_prefetch = 0 : i64, scratch_operands = 6 : i64, tpu.core_type = #tpu.core_type<sc_vector_subcore>, window_params = [{transform_indices = #map}, {transform_indices = #map}, {transform_indices = #map1}, {transform_indices = #map1}, {transform_indices = #map}]} {
    %mul3A = arith.constant 2 : i32
    %mul3A_0 = arith.muli %arg1, %mul3A : i32
    %add3A = arith.addi %mul3A_0, %arg0 : i32
    %mul3A_1 = arith.constant 30000 : i32
    %mul3A_2 = arith.muli %add3A, %mul3A_1 : i32
    %scan3A = arith.constant 0 : i32
    %scan3A_3 = arith.constant 0 : i32
    %scan3A_4 = arith.constant 250 : i32
    %scan3A_5 = arith.addi %scan3A_3, %scan3A_4 : i32
    %scan3A_6 = arith.constant 1 : i32
    scf.for %scan3A_8 = %scan3A_3 to %scan3A_5 step %scan3A_6  : i32 {
      %mul3A_9 = arith.constant 120 : i32
      %mul3A_10 = arith.muli %scan3A_8, %mul3A_9 : i32
      %add3A_11 = arith.addi %mul3A_2, %mul3A_10 : i32
      "tpu.region"() ({
        %run_scoped3A = tpu.sem_alloc : memref<!tpu.dma_semaphore, #tpu.memory_space<semaphore_mem>>
        %dma_start3A_28 = tpu.memref_slice %arg4[%add3A_11] : memref<960000xi32, #tpu.memory_space<hbm>> -> memref<120xi32, #tpu.memory_space<hbm>>
        %dma_start3A_29 = tpu.memref_slice %arg4[%add3A_11] : memref<960000xi32, #tpu.memory_space<hbm>> -> memref<120xi32, #tpu.memory_space<hbm>>
        tpu.enqueue_dma source(%dma_start3A_29 : memref<120xi32, #tpu.memory_space<hbm>>) target(%arg7 : memref<120xi32, #tpu.memory_space<vmem>>) target_semaphore(%run_scoped3A : memref<!tpu.dma_semaphore, #tpu.memory_space<semaphore_mem>>)
        %dma_wait3A_30 = tpu.memref_slice %arg4[%add3A_11] : memref<960000xi32, #tpu.memory_space<hbm>> -> memref<120xi32, #tpu.memory_space<hbm>>
        %dma_wait3A_31 = tpu.memref_slice %arg4[%add3A_11] : memref<960000xi32, #tpu.memory_space<hbm>> -> memref<120xi32, #tpu.memory_space<hbm>>
        tpu.wait_dma2 semaphore(%run_scoped3A : memref<!tpu.dma_semaphore, #tpu.memory_space<semaphore_mem>>) src(%dma_wait3A_31 : memref<120xi32, #tpu.memory_space<hbm>>) dst(%arg7 : memref<120xi32, #tpu.memory_space<vmem>>)
        tpu.yield
      }) : () -> ()
      "tpu.region"() ({
        %run_scoped3A = tpu.sem_alloc : memref<!tpu.dma_semaphore, #tpu.memory_space<semaphore_mem>>
        %dma_start3A_28 = tpu.memref_slice %arg5[%add3A_11] : memref<960000xi32, #tpu.memory_space<hbm>> -> memref<120xi32, #tpu.memory_space<hbm>>
        %dma_start3A_29 = tpu.memref_slice %arg5[%add3A_11] : memref<960000xi32, #tpu.memory_space<hbm>> -> memref<120xi32, #tpu.memory_space<hbm>>
        tpu.enqueue_dma source(%dma_start3A_29 : memref<120xi32, #tpu.memory_space<hbm>>) target(%arg8 : memref<120xi32, #tpu.memory_space<vmem>>) target_semaphore(%run_scoped3A : memref<!tpu.dma_semaphore, #tpu.memory_space<semaphore_mem>>)
        %dma_wait3A_30 = tpu.memref_slice %arg5[%add3A_11] : memref<960000xi32, #tpu.memory_space<hbm>> -> memref<120xi32, #tpu.memory_space<hbm>>
        %dma_wait3A_31 = tpu.memref_slice %arg5[%add3A_11] : memref<960000xi32, #tpu.memory_space<hbm>> -> memref<120xi32, #tpu.memory_space<hbm>>
        tpu.wait_dma2 semaphore(%run_scoped3A : memref<!tpu.dma_semaphore, #tpu.memory_space<semaphore_mem>>) src(%dma_wait3A_31 : memref<120xi32, #tpu.memory_space<hbm>>) dst(%arg8 : memref<120xi32, #tpu.memory_space<vmem>>)
        tpu.yield
      }) : () -> ()
      %dma_start3A = arith.constant 0 : i32
      %dma_start3A_12 = arith.constant 0 : i32
      %dma_start3A_13 = tpu.memref_slice %arg2[%dma_start3A, %dma_start3A_12] : memref<10000x256xf32, #tpu.memory_space<hbm>> -> memref<10000x256xf32, #tpu.memory_space<hbm>>
      tpu.enqueue_indirect_dma source(%dma_start3A_13 : memref<10000x256xf32, #tpu.memory_space<hbm>>) target(%arg9 : memref<120x256xf32, #tpu.memory_space<vmem>>) offsets(%arg7 : memref<120xi32, #tpu.memory_space<vmem>>) semaphore(%arg11 : memref<!tpu.dma_semaphore, #tpu.memory_space<semaphore_mem>>)
      %dma_start3A_14 = arith.constant 0 : i32
      %dma_start3A_15 = arith.constant 0 : i32
      %dma_start3A_16 = tpu.memref_slice %arg3[%dma_start3A_14, %dma_start3A_15] : memref<10000x256xf32, #tpu.memory_space<hbm>> -> memref<10000x256xf32, #tpu.memory_space<hbm>>
      tpu.enqueue_indirect_dma source(%dma_start3A_16 : memref<10000x256xf32, #tpu.memory_space<hbm>>) target(%arg10 : memref<120x256xf32, #tpu.memory_space<vmem>>) offsets(%arg8 : memref<120xi32, #tpu.memory_space<vmem>>) semaphore(%arg12 : memref<!tpu.dma_semaphore, #tpu.memory_space<semaphore_mem>>)
      %dma_wait3A = arith.constant 0 : i32
      %dma_wait3A_17 = arith.constant 0 : i32
      %dma_wait3A_18 = tpu.memref_slice %arg2[%dma_wait3A, %dma_wait3A_17] : memref<10000x256xf32, #tpu.memory_space<hbm>> -> memref<10000x256xf32, #tpu.memory_space<hbm>>
      tpu.wait_indirect_dma semaphore(%arg11 : memref<!tpu.dma_semaphore, #tpu.memory_space<semaphore_mem>>) src(%dma_wait3A_18 : memref<10000x256xf32, #tpu.memory_space<hbm>>) dst(%arg9 : memref<120x256xf32, #tpu.memory_space<vmem>>)
      %dma_wait3A_19 = arith.constant 0 : i32
      %dma_wait3A_20 = arith.constant 0 : i32
      %dma_wait3A_21 = tpu.memref_slice %arg3[%dma_wait3A_19, %dma_wait3A_20] : memref<10000x256xf32, #tpu.memory_space<hbm>> -> memref<10000x256xf32, #tpu.memory_space<hbm>>
      tpu.wait_indirect_dma semaphore(%arg12 : memref<!tpu.dma_semaphore, #tpu.memory_space<semaphore_mem>>) src(%dma_wait3A_21 : memref<10000x256xf32, #tpu.memory_space<hbm>>) dst(%arg10 : memref<120x256xf32, #tpu.memory_space<vmem>>)
      %scan3A_22 = arith.constant 0 : i32
      %scan3A_23 = arith.constant 0 : i32
      %scan3A_24 = arith.constant 120 : i32
      %scan3A_25 = arith.addi %scan3A_23, %scan3A_24 : i32
      %scan3A_26 = arith.constant 1 : i32
      scf.for %scan3A_28 = %scan3A_23 to %scan3A_25 step %scan3A_26  : i32 {
        %get3A = arith.index_cast %scan3A_28 : i32 to index
        %get3A_29 = arith.constant 0 : index
        %get3A_30 = tpu.vector_load %arg9[%get3A, %get3A_29] {strides = array<i32>} : memref<120x256xf32, #tpu.memory_space<vmem>>, vector<1x16xf32>,
        %get3A_31 = vector.shape_cast %get3A_30 : vector<1x16xf32> to vector<16xf32>
        %get3A_32 = arith.index_cast %scan3A_28 : i32 to index
        %get3A_33 = arith.constant 0 : index
        %get3A_34 = tpu.vector_load %arg10[%get3A_32, %get3A_33] {strides = array<i32>} : memref<120x256xf32, #tpu.memory_space<vmem>>, vector<1x16xf32>,
        %get3A_35 = vector.shape_cast %get3A_34 : vector<1x16xf32> to vector<16xf32>
        %add3A_36 = arith.addf %get3A_31, %get3A_35 : vector<16xf32>
        %swap3A = arith.index_cast %scan3A_28 : i32 to index
        %swap3A_37 = arith.constant 0 : index
        %swap3A_38 = tpu.vector_load %arg9[%swap3A, %swap3A_37] {strides = array<i32>} : memref<120x256xf32, #tpu.memory_space<vmem>>, vector<1x16xf32>,
        %swap3A_39 = vector.shape_cast %swap3A_38 : vector<1x16xf32> to vector<16xf32>
        %swap3A_40 = vector.shape_cast %add3A_36 : vector<16xf32> to vector<1x16xf32>
        tpu.vector_store %arg9[%swap3A, %swap3A_37], %swap3A_40 {strides = array<i32>} : memref<120x256xf32, #tpu.memory_space<vmem>>, vector<1x16xf32>,
        %get3A_41 = arith.index_cast %scan3A_28 : i32 to index
        %get3A_42 = arith.constant 16 : index
        %get3A_43 = tpu.vector_load %arg9[%get3A_41, %get3A_42] {strides = array<i32>} : memref<120x256xf32, #tpu.memory_space<vmem>>, vector<1x16xf32>,
        %get3A_44 = vector.shape_cast %get3A_43 : vector<1x16xf32> to vector<16xf32>
        %get3A_45 = arith.index_cast %scan3A_28 : i32 to index
        %get3A_46 = arith.constant 16 : index
        %get3A_47 = tpu.vector_load %arg10[%get3A_45, %get3A_46] {strides = array<i32>} : memref<120x256xf32, #tpu.memory_space<vmem>>, vector<1x16xf32>,
        %get3A_48 = vector.shape_cast %get3A_47 : vector<1x16xf32> to vector<16xf32>
        %add3A_49 = arith.addf %get3A_44, %get3A_48 : vector<16xf32>
        %swap3A_50 = arith.index_cast %scan3A_28 : i32 to index
        %swap3A_51 = arith.constant 16 : index
        %swap3A_52 = tpu.vector_load %arg9[%swap3A_50, %swap3A_51] {strides = array<i32>} : memref<120x256xf32, #tpu.memory_space<vmem>>, vector<1x16xf32>,
        %swap3A_53 = vector.shape_cast %swap3A_52 : vector<1x16xf32> to vector<16xf32>
        %swap3A_54 = vector.shape_cast %add3A_49 : vector<16xf32> to vector<1x16xf32>
        tpu.vector_store %arg9[%swap3A_50, %swap3A_51], %swap3A_54 {strides = array<i32>} : memref<120x256xf32, #tpu.memory_space<vmem>>, vector<1x16xf32>,
        %get3A_55 = arith.index_cast %scan3A_28 : i32 to index
        %get3A_56 = arith.constant 32 : index
        %get3A_57 = tpu.vector_load %arg9[%get3A_55, %get3A_56] {strides = array<i32>} : memref<120x256xf32, #tpu.memory_space<vmem>>, vector<1x16xf32>,
        %get3A_58 = vector.shape_cast %get3A_57 : vector<1x16xf32> to vector<16xf32>
        %get3A_59 = arith.index_cast %scan3A_28 : i32 to index
        %get3A_60 = arith.constant 32 : index
        %get3A_61 = tpu.vector_load %arg10[%get3A_59, %get3A_60] {strides = array<i32>} : memref<120x256xf32, #tpu.memory_space<vmem>>, vector<1x16xf32>,
        %get3A_62 = vector.shape_cast %get3A_61 : vector<1x16xf32> to vector<16xf32>
        %add3A_63 = arith.addf %get3A_58, %get3A_62 : vector<16xf32>
        %swap3A_64 = arith.index_cast %scan3A_28 : i32 to index
        %swap3A_65 = arith.constant 32 : index
        %swap3A_66 = tpu.vector_load %arg9[%swap3A_64, %swap3A_65] {strides = array<i32>} : memref<120x256xf32, #tpu.memory_space<vmem>>, vector<1x16xf32>,
        %swap3A_67 = vector.shape_cast %swap3A_66 : vector<1x16xf32> to vector<16xf32>
        %swap3A_68 = vector.shape_cast %add3A_63 : vector<16xf32> to vector<1x16xf32>
        tpu.vector_store %arg9[%swap3A_64, %swap3A_65], %swap3A_68 {strides = array<i32>} : memref<120x256xf32, #tpu.memory_space<vmem>>, vector<1x16xf32>,
        %get3A_69 = arith.index_cast %scan3A_28 : i32 to index
        %get3A_70 = arith.constant 48 : index
        %get3A_71 = tpu.vector_load %arg9[%get3A_69, %get3A_70] {strides = array<i32>} : memref<120x256xf32, #tpu.memory_space<vmem>>, vector<1x16xf32>,
        %get3A_72 = vector.shape_cast %get3A_71 : vector<1x16xf32> to vector<16xf32>
        %get3A_73 = arith.index_cast %scan3A_28 : i32 to index
        %get3A_74 = arith.constant 48 : index
        %get3A_75 = tpu.vector_load %arg10[%get3A_73, %get3A_74] {strides = array<i32>} : memref<120x256xf32, #tpu.memory_space<vmem>>, vector<1x16xf32>,
        %get3A_76 = vector.shape_cast %get3A_75 : vector<1x16xf32> to vector<16xf32>
        %add3A_77 = arith.addf %get3A_72, %get3A_76 : vector<16xf32>
        %swap3A_78 = arith.index_cast %scan3A_28 : i32 to index
        %swap3A_79 = arith.constant 48 : index
        %swap3A_80 = tpu.vector_load %arg9[%swap3A_78, %swap3A_79] {strides = array<i32>} : memref<120x256xf32, #tpu.memory_space<vmem>>, vector<1x16xf32>,
        %swap3A_81 = vector.shape_cast %swap3A_80 : vector<1x16xf32> to vector<16xf32>
        %swap3A_82 = vector.shape_cast %add3A_77 : vector<16xf32> to vector<1x16xf32>
        tpu.vector_store %arg9[%swap3A_78, %swap3A_79], %swap3A_82 {strides = array<i32>} : memref<120x256xf32, #tpu.memory_space<vmem>>, vector<1x16xf32>,
        %get3A_83 = arith.index_cast %scan3A_28 : i32 to index
        %get3A_84 = arith.constant 64 : index
        %get3A_85 = tpu.vector_load %arg9[%get3A_83, %get3A_84] {strides = array<i32>} : memref<120x256xf32, #tpu.memory_space<vmem>>, vector<1x16xf32>,
        %get3A_86 = vector.shape_cast %get3A_85 : vector<1x16xf32> to vector<16xf32>
        %get3A_87 = arith.index_cast %scan3A_28 : i32 to index
        %get3A_88 = arith.constant 64 : index
        %get3A_89 = tpu.vector_load %arg10[%get3A_87, %get3A_88] {strides = array<i32>} : memref<120x256xf32, #tpu.memory_space<vmem>>, vector<1x16xf32>,
        %get3A_90 = vector.shape_cast %get3A_89 : vector<1x16xf32> to vector<16xf32>
        %add3A_91 = arith.addf %get3A_86, %get3A_90 : vector<16xf32>
        %swap3A_92 = arith.index_cast %scan3A_28 : i32 to index
        %swap3A_93 = arith.constant 64 : index
        %swap3A_94 = tpu.vector_load %arg9[%swap3A_92, %swap3A_93] {strides = array<i32>} : memref<120x256xf32, #tpu.memory_space<vmem>>, vector<1x16xf32>,
        %swap3A_95 = vector.shape_cast %swap3A_94 : vector<1x16xf32> to vector<16xf32>
        %swap3A_96 = vector.shape_cast %add3A_91 : vector<16xf32> to vector<1x16xf32>
        tpu.vector_store %arg9[%swap3A_92, %swap3A_93], %swap3A_96 {strides = array<i32>} : memref<120x256xf32, #tpu.memory_space<vmem>>, vector<1x16xf32>,
        %get3A_97 = arith.index_cast %scan3A_28 : i32 to index
        %get3A_98 = arith.constant 80 : index
        %get3A_99 = tpu.vector_load %arg9[%get3A_97, %get3A_98] {strides = array<i32>} : memref<120x256xf32, #tpu.memory_space<vmem>>, vector<1x16xf32>,
        %get3A_100 = vector.shape_cast %get3A_99 : vector<1x16xf32> to vector<16xf32>
        %get3A_101 = arith.index_cast %scan3A_28 : i32 to index
        %get3A_102 = arith.constant 80 : index
        %get3A_103 = tpu.vector_load %arg10[%get3A_101, %get3A_102] {strides = array<i32>} : memref<120x256xf32, #tpu.memory_space<vmem>>, vector<1x16xf32>,
        %get3A_104 = vector.shape_cast %get3A_103 : vector<1x16xf32> to vector<16xf32>
        %add3A_105 = arith.addf %get3A_100, %get3A_104 : vector<16xf32>
        %swap3A_106 = arith.index_cast %scan3A_28 : i32 to index
        %swap3A_107 = arith.constant 80 : index
        %swap3A_108 = tpu.vector_load %arg9[%swap3A_106, %swap3A_107] {strides = array<i32>} : memref<120x256xf32, #tpu.memory_space<vmem>>, vector<1x16xf32>,
        %swap3A_109 = vector.shape_cast %swap3A_108 : vector<1x16xf32> to vector<16xf32>
        %swap3A_110 = vector.shape_cast %add3A_105 : vector<16xf32> to vector<1x16xf32>
        tpu.vector_store %arg9[%swap3A_106, %swap3A_107], %swap3A_110 {strides = array<i32>} : memref<120x256xf32, #tpu.memory_space<vmem>>, vector<1x16xf32>,
        %get3A_111 = arith.index_cast %scan3A_28 : i32 to index
        %get3A_112 = arith.constant 96 : index
        %get3A_113 = tpu.vector_load %arg9[%get3A_111, %get3A_112] {strides = array<i32>} : memref<120x256xf32, #tpu.memory_space<vmem>>, vector<1x16xf32>,
        %get3A_114 = vector.shape_cast %get3A_113 : vector<1x16xf32> to vector<16xf32>
        %get3A_115 = arith.index_cast %scan3A_28 : i32 to index
        %get3A_116 = arith.constant 96 : index
        %get3A_117 = tpu.vector_load %arg10[%get3A_115, %get3A_116] {strides = array<i32>} : memref<120x256xf32, #tpu.memory_space<vmem>>, vector<1x16xf32>,
        %get3A_118 = vector.shape_cast %get3A_117 : vector<1x16xf32> to vector<16xf32>
        %add3A_119 = arith.addf %get3A_114, %get3A_118 : vector<16xf32>
        %swap3A_120 = arith.index_cast %scan3A_28 : i32 to index
        %swap3A_121 = arith.constant 96 : index
        %swap3A_122 = tpu.vector_load %arg9[%swap3A_120, %swap3A_121] {strides = array<i32>} : memref<120x256xf32, #tpu.memory_space<vmem>>, vector<1x16xf32>,
        %swap3A_123 = vector.shape_cast %swap3A_122 : vector<1x16xf32> to vector<16xf32>
        %swap3A_124 = vector.shape_cast %add3A_119 : vector<16xf32> to vector<1x16xf32>
        tpu.vector_store %arg9[%swap3A_120, %swap3A_121], %swap3A_124 {strides = array<i32>} : memref<120x256xf32, #tpu.memory_space<vmem>>, vector<1x16xf32>,
        %get3A_125 = arith.index_cast %scan3A_28 : i32 to index
        %get3A_126 = arith.constant 112 : index
        %get3A_127 = tpu.vector_load %arg9[%get3A_125, %get3A_126] {strides = array<i32>} : memref<120x256xf32, #tpu.memory_space<vmem>>, vector<1x16xf32>,
        %get3A_128 = vector.shape_cast %get3A_127 : vector<1x16xf32> to vector<16xf32>
        %get3A_129 = arith.index_cast %scan3A_28 : i32 to index
        %get3A_130 = arith.constant 112 : index
        %get3A_131 = tpu.vector_load %arg10[%get3A_129, %get3A_130] {strides = array<i32>} : memref<120x256xf32, #tpu.memory_space<vmem>>, vector<1x16xf32>,
        %get3A_132 = vector.shape_cast %get3A_131 : vector<1x16xf32> to vector<16xf32>
        %add3A_133 = arith.addf %get3A_128, %get3A_132 : vector<16xf32>
        %swap3A_134 = arith.index_cast %scan3A_28 : i32 to index
        %swap3A_135 = arith.constant 112 : index
        %swap3A_136 = tpu.vector_load %arg9[%swap3A_134, %swap3A_135] {strides = array<i32>} : memref<120x256xf32, #tpu.memory_space<vmem>>, vector<1x16xf32>,
        %swap3A_137 = vector.shape_cast %swap3A_136 : vector<1x16xf32> to vector<16xf32>
        %swap3A_138 = vector.shape_cast %add3A_133 : vector<16xf32> to vector<1x16xf32>
        tpu.vector_store %arg9[%swap3A_134, %swap3A_135], %swap3A_138 {strides = array<i32>} : memref<120x256xf32, #tpu.memory_space<vmem>>, vector<1x16xf32>,
        %get3A_139 = arith.index_cast %scan3A_28 : i32 to index
        %get3A_140 = arith.constant 128 : index
        %get3A_141 = tpu.vector_load %arg9[%get3A_139, %get3A_140] {strides = array<i32>} : memref<120x256xf32, #tpu.memory_space<vmem>>, vector<1x16xf32>,
        %get3A_142 = vector.shape_cast %get3A_141 : vector<1x16xf32> to vector<16xf32>
        %get3A_143 = arith.index_cast %scan3A_28 : i32 to index
        %get3A_144 = arith.constant 128 : index
        %get3A_145 = tpu.vector_load %arg10[%get3A_143, %get3A_144] {strides = array<i32>} : memref<120x256xf32, #tpu.memory_space<vmem>>, vector<1x16xf32>,
        %get3A_146 = vector.shape_cast %get3A_145 : vector<1x16xf32> to vector<16xf32>
        %add3A_147 = arith.addf %get3A_142, %get3A_146 : vector<16xf32>
        %swap3A_148 = arith.index_cast %scan3A_28 : i32 to index
        %swap3A_149 = arith.constant 128 : index
        %swap3A_150 = tpu.vector_load %arg9[%swap3A_148, %swap3A_149] {strides = array<i32>} : memref<120x256xf32, #tpu.memory_space<vmem>>, vector<1x16xf32>,
        %swap3A_151 = vector.shape_cast %swap3A_150 : vector<1x16xf32> to vector<16xf32>
        %swap3A_152 = vector.shape_cast %add3A_147 : vector<16xf32> to vector<1x16xf32>
        tpu.vector_store %arg9[%swap3A_148, %swap3A_149], %swap3A_152 {strides = array<i32>} : memref<120x256xf32, #tpu.memory_space<vmem>>, vector<1x16xf32>,
        %get3A_153 = arith.index_cast %scan3A_28 : i32 to index
        %get3A_154 = arith.constant 144 : index
        %get3A_155 = tpu.vector_load %arg9[%get3A_153, %get3A_154] {strides = array<i32>} : memref<120x256xf32, #tpu.memory_space<vmem>>, vector<1x16xf32>,
        %get3A_156 = vector.shape_cast %get3A_155 : vector<1x16xf32> to vector<16xf32>
        %get3A_157 = arith.index_cast %scan3A_28 : i32 to index
        %get3A_158 = arith.constant 144 : index
        %get3A_159 = tpu.vector_load %arg10[%get3A_157, %get3A_158] {strides = array<i32>} : memref<120x256xf32, #tpu.memory_space<vmem>>, vector<1x16xf32>,
        %get3A_160 = vector.shape_cast %get3A_159 : vector<1x16xf32> to vector<16xf32>
        %add3A_161 = arith.addf %get3A_156, %get3A_160 : vector<16xf32>
        %swap3A_162 = arith.index_cast %scan3A_28 : i32 to index
        %swap3A_163 = arith.constant 144 : index
        %swap3A_164 = tpu.vector_load %arg9[%swap3A_162, %swap3A_163] {strides = array<i32>} : memref<120x256xf32, #tpu.memory_space<vmem>>, vector<1x16xf32>,
        %swap3A_165 = vector.shape_cast %swap3A_164 : vector<1x16xf32> to vector<16xf32>
        %swap3A_166 = vector.shape_cast %add3A_161 : vector<16xf32> to vector<1x16xf32>
        tpu.vector_store %arg9[%swap3A_162, %swap3A_163], %swap3A_166 {strides = array<i32>} : memref<120x256xf32, #tpu.memory_space<vmem>>, vector<1x16xf32>,
        %get3A_167 = arith.index_cast %scan3A_28 : i32 to index
        %get3A_168 = arith.constant 160 : index
        %get3A_169 = tpu.vector_load %arg9[%get3A_167, %get3A_168] {strides = array<i32>} : memref<120x256xf32, #tpu.memory_space<vmem>>, vector<1x16xf32>,
        %get3A_170 = vector.shape_cast %get3A_169 : vector<1x16xf32> to vector<16xf32>
        %get3A_171 = arith.index_cast %scan3A_28 : i32 to index
        %get3A_172 = arith.constant 160 : index
        %get3A_173 = tpu.vector_load %arg10[%get3A_171, %get3A_172] {strides = array<i32>} : memref<120x256xf32, #tpu.memory_space<vmem>>, vector<1x16xf32>,
        %get3A_174 = vector.shape_cast %get3A_173 : vector<1x16xf32> to vector<16xf32>
        %add3A_175 = arith.addf %get3A_170, %get3A_174 : vector<16xf32>
        %swap3A_176 = arith.index_cast %scan3A_28 : i32 to index
        %swap3A_177 = arith.constant 160 : index
        %swap3A_178 = tpu.vector_load %arg9[%swap3A_176, %swap3A_177] {strides = array<i32>} : memref<120x256xf32, #tpu.memory_space<vmem>>, vector<1x16xf32>,
        %swap3A_179 = vector.shape_cast %swap3A_178 : vector<1x16xf32> to vector<16xf32>
        %swap3A_180 = vector.shape_cast %add3A_175 : vector<16xf32> to vector<1x16xf32>
        tpu.vector_store %arg9[%swap3A_176, %swap3A_177], %swap3A_180 {strides = array<i32>} : memref<120x256xf32, #tpu.memory_space<vmem>>, vector<1x16xf32>,
        %get3A_181 = arith.index_cast %scan3A_28 : i32 to index
        %get3A_182 = arith.constant 176 : index
        %get3A_183 = tpu.vector_load %arg9[%get3A_181, %get3A_182] {strides = array<i32>} : memref<120x256xf32, #tpu.memory_space<vmem>>, vector<1x16xf32>,
        %get3A_184 = vector.shape_cast %get3A_183 : vector<1x16xf32> to vector<16xf32>
        %get3A_185 = arith.index_cast %scan3A_28 : i32 to index
        %get3A_186 = arith.constant 176 : index
        %get3A_187 = tpu.vector_load %arg10[%get3A_185, %get3A_186] {strides = array<i32>} : memref<120x256xf32, #tpu.memory_space<vmem>>, vector<1x16xf32>,
        %get3A_188 = vector.shape_cast %get3A_187 : vector<1x16xf32> to vector<16xf32>
        %add3A_189 = arith.addf %get3A_184, %get3A_188 : vector<16xf32>
        %swap3A_190 = arith.index_cast %scan3A_28 : i32 to index
        %swap3A_191 = arith.constant 176 : index
        %swap3A_192 = tpu.vector_load %arg9[%swap3A_190, %swap3A_191] {strides = array<i32>} : memref<120x256xf32, #tpu.memory_space<vmem>>, vector<1x16xf32>,
        %swap3A_193 = vector.shape_cast %swap3A_192 : vector<1x16xf32> to vector<16xf32>
        %swap3A_194 = vector.shape_cast %add3A_189 : vector<16xf32> to vector<1x16xf32>
        tpu.vector_store %arg9[%swap3A_190, %swap3A_191], %swap3A_194 {strides = array<i32>} : memref<120x256xf32, #tpu.memory_space<vmem>>, vector<1x16xf32>,
        %get3A_195 = arith.index_cast %scan3A_28 : i32 to index
        %get3A_196 = arith.constant 192 : index
        %get3A_197 = tpu.vector_load %arg9[%get3A_195, %get3A_196] {strides = array<i32>} : memref<120x256xf32, #tpu.memory_space<vmem>>, vector<1x16xf32>,
        %get3A_198 = vector.shape_cast %get3A_197 : vector<1x16xf32> to vector<16xf32>
        %get3A_199 = arith.index_cast %scan3A_28 : i32 to index
        %get3A_200 = arith.constant 192 : index
        %get3A_201 = tpu.vector_load %arg10[%get3A_199, %get3A_200] {strides = array<i32>} : memref<120x256xf32, #tpu.memory_space<vmem>>, vector<1x16xf32>,
        %get3A_202 = vector.shape_cast %get3A_201 : vector<1x16xf32> to vector<16xf32>
        %add3A_203 = arith.addf %get3A_198, %get3A_202 : vector<16xf32>
        %swap3A_204 = arith.index_cast %scan3A_28 : i32 to index
        %swap3A_205 = arith.constant 192 : index
        %swap3A_206 = tpu.vector_load %arg9[%swap3A_204, %swap3A_205] {strides = array<i32>} : memref<120x256xf32, #tpu.memory_space<vmem>>, vector<1x16xf32>,
        %swap3A_207 = vector.shape_cast %swap3A_206 : vector<1x16xf32> to vector<16xf32>
        %swap3A_208 = vector.shape_cast %add3A_203 : vector<16xf32> to vector<1x16xf32>
        tpu.vector_store %arg9[%swap3A_204, %swap3A_205], %swap3A_208 {strides = array<i32>} : memref<120x256xf32, #tpu.memory_space<vmem>>, vector<1x16xf32>,
        %get3A_209 = arith.index_cast %scan3A_28 : i32 to index
        %get3A_210 = arith.constant 208 : index
        %get3A_211 = tpu.vector_load %arg9[%get3A_209, %get3A_210] {strides = array<i32>} : memref<120x256xf32, #tpu.memory_space<vmem>>, vector<1x16xf32>,
        %get3A_212 = vector.shape_cast %get3A_211 : vector<1x16xf32> to vector<16xf32>
        %get3A_213 = arith.index_cast %scan3A_28 : i32 to index
        %get3A_214 = arith.constant 208 : index
        %get3A_215 = tpu.vector_load %arg10[%get3A_213, %get3A_214] {strides = array<i32>} : memref<120x256xf32, #tpu.memory_space<vmem>>, vector<1x16xf32>,
        %get3A_216 = vector.shape_cast %get3A_215 : vector<1x16xf32> to vector<16xf32>
        %add3A_217 = arith.addf %get3A_212, %get3A_216 : vector<16xf32>
        %swap3A_218 = arith.index_cast %scan3A_28 : i32 to index
        %swap3A_219 = arith.constant 208 : index
        %swap3A_220 = tpu.vector_load %arg9[%swap3A_218, %swap3A_219] {strides = array<i32>} : memref<120x256xf32, #tpu.memory_space<vmem>>, vector<1x16xf32>,
        %swap3A_221 = vector.shape_cast %swap3A_220 : vector<1x16xf32> to vector<16xf32>
        %swap3A_222 = vector.shape_cast %add3A_217 : vector<16xf32> to vector<1x16xf32>
        tpu.vector_store %arg9[%swap3A_218, %swap3A_219], %swap3A_222 {strides = array<i32>} : memref<120x256xf32, #tpu.memory_space<vmem>>, vector<1x16xf32>,
        %get3A_223 = arith.index_cast %scan3A_28 : i32 to index
        %get3A_224 = arith.constant 224 : index
        %get3A_225 = tpu.vector_load %arg9[%get3A_223, %get3A_224] {strides = array<i32>} : memref<120x256xf32, #tpu.memory_space<vmem>>, vector<1x16xf32>,
        %get3A_226 = vector.shape_cast %get3A_225 : vector<1x16xf32> to vector<16xf32>
        %get3A_227 = arith.index_cast %scan3A_28 : i32 to index
        %get3A_228 = arith.constant 224 : index
        %get3A_229 = tpu.vector_load %arg10[%get3A_227, %get3A_228] {strides = array<i32>} : memref<120x256xf32, #tpu.memory_space<vmem>>, vector<1x16xf32>,
        %get3A_230 = vector.shape_cast %get3A_229 : vector<1x16xf32> to vector<16xf32>
        %add3A_231 = arith.addf %get3A_226, %get3A_230 : vector<16xf32>
        %swap3A_232 = arith.index_cast %scan3A_28 : i32 to index
        %swap3A_233 = arith.constant 224 : index
        %swap3A_234 = tpu.vector_load %arg9[%swap3A_232, %swap3A_233] {strides = array<i32>} : memref<120x256xf32, #tpu.memory_space<vmem>>, vector<1x16xf32>,
        %swap3A_235 = vector.shape_cast %swap3A_234 : vector<1x16xf32> to vector<16xf32>
        %swap3A_236 = vector.shape_cast %add3A_231 : vector<16xf32> to vector<1x16xf32>
        tpu.vector_store %arg9[%swap3A_232, %swap3A_233], %swap3A_236 {strides = array<i32>} : memref<120x256xf32, #tpu.memory_space<vmem>>, vector<1x16xf32>,
        %get3A_237 = arith.index_cast %scan3A_28 : i32 to index
        %get3A_238 = arith.constant 240 : index
        %get3A_239 = tpu.vector_load %arg9[%get3A_237, %get3A_238] {strides = array<i32>} : memref<120x256xf32, #tpu.memory_space<vmem>>, vector<1x16xf32>,
        %get3A_240 = vector.shape_cast %get3A_239 : vector<1x16xf32> to vector<16xf32>
        %get3A_241 = arith.index_cast %scan3A_28 : i32 to index
        %get3A_242 = arith.constant 240 : index
        %get3A_243 = tpu.vector_load %arg10[%get3A_241, %get3A_242] {strides = array<i32>} : memref<120x256xf32, #tpu.memory_space<vmem>>, vector<1x16xf32>,
        %get3A_244 = vector.shape_cast %get3A_243 : vector<1x16xf32> to vector<16xf32>
        %add3A_245 = arith.addf %get3A_240, %get3A_244 : vector<16xf32>
        %swap3A_246 = arith.index_cast %scan3A_28 : i32 to index
        %swap3A_247 = arith.constant 240 : index
        %swap3A_248 = tpu.vector_load %arg9[%swap3A_246, %swap3A_247] {strides = array<i32>} : memref<120x256xf32, #tpu.memory_space<vmem>>, vector<1x16xf32>,
        %swap3A_249 = vector.shape_cast %swap3A_248 : vector<1x16xf32> to vector<16xf32>
        %swap3A_250 = vector.shape_cast %add3A_245 : vector<16xf32> to vector<1x16xf32>
        tpu.vector_store %arg9[%swap3A_246, %swap3A_247], %swap3A_250 {strides = array<i32>} : memref<120x256xf32, #tpu.memory_space<vmem>>, vector<1x16xf32>,
      }
      %scan3A_27 = arith.constant 120 : i32
      "tpu.region"() ({
        %run_scoped3A = tpu.sem_alloc : memref<!tpu.dma_semaphore, #tpu.memory_space<semaphore_mem>>
        %dma_start3A_28 = arith.constant 0 : i32
        %dma_start3A_29 = tpu.memref_slice %arg6[%add3A_11, %dma_start3A_28] : memref<960000x256xf32, #tpu.memory_space<hbm>> -> memref<120x256xf32, #tpu.memory_space<hbm>>
        %dma_start3A_30 = arith.constant 0 : i32
        %dma_start3A_31 = tpu.memref_slice %arg6[%add3A_11, %dma_start3A_30] : memref<960000x256xf32, #tpu.memory_space<hbm>> -> memref<120x256xf32, #tpu.memory_space<hbm>>
        tpu.enqueue_dma source(%arg9 : memref<120x256xf32, #tpu.memory_space<vmem>>) target(%dma_start3A_31 : memref<120x256xf32, #tpu.memory_space<hbm>>) target_semaphore(%run_scoped3A : memref<!tpu.dma_semaphore, #tpu.memory_space<semaphore_mem>>)
        %dma_wait3A_32 = arith.constant 0 : i32
        %dma_wait3A_33 = tpu.memref_slice %arg6[%add3A_11, %dma_wait3A_32] : memref<960000x256xf32, #tpu.memory_space<hbm>> -> memref<120x256xf32, #tpu.memory_space<hbm>>
        %dma_wait3A_34 = arith.constant 0 : i32
        %dma_wait3A_35 = tpu.memref_slice %arg6[%add3A_11, %dma_wait3A_34] : memref<960000x256xf32, #tpu.memory_space<hbm>> -> memref<120x256xf32, #tpu.memory_space<hbm>>
        tpu.wait_dma2 semaphore(%run_scoped3A : memref<!tpu.dma_semaphore, #tpu.memory_space<semaphore_mem>>) src(%arg9 : memref<120x256xf32, #tpu.memory_space<vmem>>) dst(%dma_wait3A_35 : memref<120x256xf32, #tpu.memory_space<hbm>>)
        tpu.yield
      }) : () -> ()
    }
    %scan3A_7 = arith.constant 250 : i32
    return
  }
}

module attributes {stable_mosaic.version = 14 : i64} {
  func.func @_tables_body(%arg0: i32, %arg1: memref<1000x256xf32, #tpu.memory_space<vmem>>, %arg2: memref<256x256xf32, #tpu.memory_space<vmem>>, %arg3: memref<256x256xf32, #tpu.memory_space<vmem>>, %arg4: memref<1x256xf32, #tpu.memory_space<vmem>>, %arg5: memref<1000x256xf32, #tpu.memory_space<vmem>>, %arg6: memref<1000x256xf32, #tpu.memory_space<vmem>>) attributes {dimension_semantics = [#tpu.dimension_semantics<arbitrary>], iteration_bounds = array<i64: 10>, scalar_prefetch = 0 : i64, scratch_operands = 0 : i64, tpu.core_type = #tpu.core_type<tc>, window_params = [{transform_indices = @transform_0, window_bounds = array<i64: 1000, 256>}, {pipeline_mode = #tpu.pipeline_mode<synchronous>, transform_indices = @transform_1, window_bounds = array<i64: 256, 256>}, {pipeline_mode = #tpu.pipeline_mode<synchronous>, transform_indices = @transform_2, window_bounds = array<i64: 256, 256>}, {pipeline_mode = #tpu.pipeline_mode<synchronous>, transform_indices = @transform_3, window_bounds = array<i64: 1, 256>}, {transform_indices = @transform_4, window_bounds = array<i64: 1000, 256>}, {transform_indices = @transform_5, window_bounds = array<i64: 1000, 256>}]} {
    %get3A = arith.constant 0 : index
    %get3A_0 = arith.constant 0 : index
    %get3A_1 = vector.load %arg1[%get3A, %get3A_0] : memref<1000x256xf32, #tpu.memory_space<vmem>>, vector<1000x256xf32>
    %get3A_2 = arith.constant 0 : index
    %get3A_3 = arith.constant 0 : index
    %get3A_4 = vector.load %arg2[%get3A_2, %get3A_3] : memref<256x256xf32, #tpu.memory_space<vmem>>, vector<256x256xf32>
    %dot_general3A = arith.constant dense<0.000000e+00> : vector<1000x256xf32>
    %dot_general3A_5 = tpu.matmul %get3A_1, %get3A_4, %dot_general3A {dimension_numbers = #tpu.dot_dimension_numbers<[1], [0], [0], [1], [0, 0, 1, 1], [], []>, transpose_lhs_hint = false} : vector<1000x256xf32>, vector<256x256xf32>, vector<1000x256xf32> -> vector<1000x256xf32>
    %get3A_6 = arith.constant 0 : index
    %get3A_7 = arith.constant 0 : index
    %get3A_8 = vector.load %arg4[%get3A_6, %get3A_7] : memref<1x256xf32, #tpu.memory_space<vmem>>, vector<1x256xf32>
    %add3A = vector.broadcast %get3A_8 : vector<1x256xf32> to vector<1000x256xf32>
    %add3A_9 = arith.addf %dot_general3A_5, %add3A : vector<1000x256xf32>
    %swap3A = arith.constant 0 : index
    %swap3A_10 = arith.constant 0 : index
    %swap3A_11 = vector.load %arg5[%swap3A, %swap3A_10] : memref<1000x256xf32, #tpu.memory_space<vmem>>, vector<1000x256xf32>
    tpu.vector_store %arg5[%swap3A, %swap3A_10], %add3A_9 {strides = array<i32>} : memref<1000x256xf32, #tpu.memory_space<vmem>>, vector<1000x256xf32>,
    %get3A_12 = arith.constant 0 : index
    %get3A_13 = arith.constant 0 : index
    %get3A_14 = vector.load %arg3[%get3A_12, %get3A_13] : memref<256x256xf32, #tpu.memory_space<vmem>>, vector<256x256xf32>
    %dot_general3A_15 = arith.constant dense<0.000000e+00> : vector<1000x256xf32>
    %dot_general3A_16 = tpu.matmul %get3A_1, %get3A_14, %dot_general3A_15 {dimension_numbers = #tpu.dot_dimension_numbers<[1], [0], [0], [1], [0, 0, 1, 1], [], []>, transpose_lhs_hint = false} : vector<1000x256xf32>, vector<256x256xf32>, vector<1000x256xf32> -> vector<1000x256xf32>
    %swap3A_17 = arith.constant 0 : index
    %swap3A_18 = arith.constant 0 : index
    %swap3A_19 = vector.load %arg6[%swap3A_17, %swap3A_18] : memref<1000x256xf32, #tpu.memory_space<vmem>>, vector<1000x256xf32>
    tpu.vector_store %arg6[%swap3A_17, %swap3A_18], %dot_general3A_16 {strides = array<i32>} : memref<1000x256xf32, #tpu.memory_space<vmem>>, vector<1000x256xf32>,
    return
  }
  func.func @transform_0(%arg0: i32) -> (i32, i32) {
    %c0_i32 = arith.constant 0 : i32
    %c0_i32_0 = arith.constant 0 : i32
    return %arg0, %c0_i32 : i32, i32
  }
  func.func @transform_1(%arg0: i32) -> (i32, i32) {
    %c0_i32 = arith.constant 0 : i32
    %c0_i32_0 = arith.constant 0 : i32
    %c0_i32_1 = arith.constant 0 : i32
    return %c0_i32, %c0_i32_0 : i32, i32
  }
  func.func @transform_2(%arg0: i32) -> (i32, i32) {
    %c0_i32 = arith.constant 0 : i32
    %c0_i32_0 = arith.constant 0 : i32
    %c0_i32_1 = arith.constant 0 : i32
    return %c0_i32, %c0_i32_0 : i32, i32
  }
  func.func @transform_3(%arg0: i32) -> (i32, i32) {
    %c0_i32 = arith.constant 0 : i32
    %c0_i32_0 = arith.constant 0 : i32
    %c0_i32_1 = arith.constant 0 : i32
    return %c0_i32, %c0_i32_0 : i32, i32
  }
  func.func @transform_4(%arg0: i32) -> (i32, i32) {
    %c0_i32 = arith.constant 0 : i32
    %c0_i32_0 = arith.constant 0 : i32
    return %arg0, %c0_i32 : i32, i32
  }
  func.func @transform_5(%arg0: i32) -> (i32, i32) {
    %c0_i32 = arith.constant 0 : i32
    %c0_i32_0 = arith.constant 0 : i32
    return %arg0, %c0_i32 : i32, i32
  }
}

module attributes {stable_mosaic.version = 14 : i64} {
  func.func @_loss_body(%arg0: i32, %arg1: memref<1600x256xf32, #tpu.memory_space<vmem>>, %arg2: memref<256x128xf32, #tpu.memory_space<vmem>>, %arg3: memref<1x128xf32, #tpu.memory_space<vmem>>, %arg4: memref<1x128xf32, #tpu.memory_space<vmem>>, %arg5: memref<1x1xf32, #tpu.memory_space<smem>>, %arg6: memref<1x1xf32, #tpu.memory_space<smem>>) attributes {dimension_semantics = [#tpu.dimension_semantics<arbitrary>], iteration_bounds = array<i64: 600>, scalar_prefetch = 0 : i64, scratch_operands = 0 : i64, tpu.core_type = #tpu.core_type<tc>, window_params = [{transform_indices = @transform_0, window_bounds = array<i64: 1600, 256>}, {pipeline_mode = #tpu.pipeline_mode<synchronous>, transform_indices = @transform_1, window_bounds = array<i64: 256, 128>}, {pipeline_mode = #tpu.pipeline_mode<synchronous>, transform_indices = @transform_2, window_bounds = array<i64: 1, 128>}, {pipeline_mode = #tpu.pipeline_mode<synchronous>, transform_indices = @transform_3, window_bounds = array<i64: 1, 128>}, {transform_indices = @transform_4, window_bounds = array<i64: 1, 1>}, {transform_indices = @transform_5, window_bounds = array<i64: 1, 1>}]} {
    %get3A = arith.constant 0 : index
    %get3A_0 = arith.constant 0 : index
    %get3A_1 = vector.load %arg1[%get3A, %get3A_0] : memref<1600x256xf32, #tpu.memory_space<vmem>>, vector<1600x256xf32>
    %max3A = arith.constant 0.000000e+00 : f32
    %max3A_2 = vector.broadcast %max3A : f32 to vector<1600x256xf32>
    %max3A_3 = arith.maximumf %get3A_1, %max3A_2 : vector<1600x256xf32>
    %get3A_4 = arith.constant 0 : index
    %get3A_5 = arith.constant 0 : index
    %get3A_6 = vector.load %arg2[%get3A_4, %get3A_5] : memref<256x128xf32, #tpu.memory_space<vmem>>, vector<256x128xf32>
    %dot_general3A = arith.constant dense<0.000000e+00> : vector<1600x128xf32>
    %dot_general3A_7 = tpu.matmul %max3A_3, %get3A_6, %dot_general3A {dimension_numbers = #tpu.dot_dimension_numbers<[1], [0], [0], [1], [0, 0, 1, 1], [], []>, transpose_lhs_hint = false} : vector<1600x256xf32>, vector<256x128xf32>, vector<1600x128xf32> -> vector<1600x128xf32>
    %get3A_8 = arith.constant 0 : index
    %get3A_9 = arith.constant 0 : index
    %get3A_10 = vector.load %arg3[%get3A_8, %get3A_9] : memref<1x128xf32, #tpu.memory_space<vmem>>, vector<1x128xf32>
    %add3A = vector.broadcast %get3A_10 : vector<1x128xf32> to vector<1600x128xf32>
    %add3A_11 = arith.addf %dot_general3A_7, %add3A : vector<1600x128xf32>
    %max3A_12 = arith.constant 0.000000e+00 : f32
    %max3A_13 = vector.broadcast %max3A_12 : f32 to vector<1600x128xf32>
    %max3A_14 = arith.maximumf %add3A_11, %max3A_13 : vector<1600x128xf32>
    %get3A_15 = arith.constant 0 : index
    %get3A_16 = arith.constant 0 : index
    %get3A_17 = vector.load %arg4[%get3A_15, %get3A_16] : memref<1x128xf32, #tpu.memory_space<vmem>>, vector<1x128xf32>
    %mul3A = vector.broadcast %get3A_17 : vector<1x128xf32> to vector<1600x128xf32>
    %mul3A_18 = arith.mulf %max3A_14, %mul3A : vector<1600x128xf32>
    %reduce_sum3A = arith.constant dense<0.000000e+00> : vector<1600xf32>
    %reduce_sum3A_19 = vector.multi_reduction <add>, %mul3A_18, %reduce_sum3A [1] : vector<1600x128xf32> to vector<1600xf32>
    %broadcast_in_dim3A = vector.shape_cast %reduce_sum3A_19 : vector<1600xf32> to vector<1600x1xf32>
    %get3A_20 = arith.constant 0 : index
    %get3A_21 = arith.constant 0 : index
    %get3A_22 = memref.load %arg5[%get3A_20, %get3A_21] : memref<1x1xf32, #tpu.memory_space<smem>>
    %add3A_23 = vector.broadcast %get3A_22 : f32 to vector<1600x1xf32>
    %add3A_24 = arith.addf %broadcast_in_dim3A, %add3A_23 : vector<1600x1xf32>
    %lt3A = arith.constant 100 : i32
    %lt3A_25 = arith.cmpi slt, %arg0, %lt3A : i32
    %jit3A = arith.constant -1.000000e+00 : f32
    %jit3A_26 = arith.constant 1.000000e+00 : f32
    %select_n3A = arith.select %lt3A_25, %jit3A, %jit3A_26 : f32
    %lt3A_27 = arith.constant 100 : i32
    %lt3A_28 = arith.cmpi slt, %arg0, %lt3A_27 : i32
    %jit3A_29 = arith.constant 3.125000e-06 : f32
    %jit3A_30 = arith.constant 6.250000e-07 : f32
    %select_n3A_31 = arith.select %lt3A_28, %jit3A_29, %jit3A_30 : f32
    %mul3A_32 = vector.broadcast %select_n3A : f32 to vector<1600x1xf32>
    %mul3A_33 = arith.mulf %mul3A_32, %add3A_24 : vector<1600x1xf32>
    %max3A_34 = arith.constant 0.000000e+00 : f32
    %max3A_35 = vector.broadcast %max3A_34 : f32 to vector<1600x1xf32>
    %max3A_36 = arith.maximumf %mul3A_33, %max3A_35 : vector<1600x1xf32>
    %abs3A = math.absf %mul3A_33 : vector<1600x1xf32>
    %neg3A = arith.constant 0.000000e+00 : f32
    %neg3A_37 = vector.broadcast %neg3A : f32 to vector<1600x1xf32>
    %neg3A_38 = arith.subf %neg3A_37, %abs3A : vector<1600x1xf32>
    %exp3A = math.exp %neg3A_38 : vector<1600x1xf32>
    %log1p3A = math.log1p %exp3A : vector<1600x1xf32>
    %add3A_39 = arith.addf %max3A_36, %log1p3A : vector<1600x1xf32>
    %reduce_sum3A_40 = vector.shape_cast %add3A_39 : vector<1600x1xf32> to vector<1x1600x1xf32>
    %reduce_sum3A_41 = arith.constant dense<0.000000e+00> : vector<1xf32>
    %reduce_sum3A_42 = vector.multi_reduction <add>, %reduce_sum3A_40, %reduce_sum3A_41 [1, 2] : vector<1x1600x1xf32> to vector<1xf32>
    %reduce_sum3A_43 = vector.shape_cast %reduce_sum3A_42 : vector<1xf32> to vector<1x1x1xf32>
    %reduce_sum3A_44 = vector.extract %reduce_sum3A_43[0, 0, 0] : f32 from vector<1x1x1xf32>
    %mul3A_45 = arith.mulf %reduce_sum3A_44, %select_n3A_31 : f32
    %eq3A = arith.constant 0 : i32
    %eq3A_46 = arith.cmpi eq, %arg0, %eq3A : i32
    %convert_element_type3A = arith.extui %eq3A_46 : i1 to i32
    %cond3A = arith.constant 0 : i32
    %cond3A_47 = arith.cmpi ne, %convert_element_type3A, %cond3A : i32
    scf.if %cond3A_47 {
      %swap3A_54 = arith.constant 0.000000e+00 : f32
      %swap3A_55 = arith.constant 0 : index
      %swap3A_56 = arith.constant 0 : index
      %swap3A_57 = memref.load %arg6[%swap3A_55, %swap3A_56] : memref<1x1xf32, #tpu.memory_space<smem>>
      memref.store %swap3A_54, %arg6[%swap3A_55, %swap3A_56] : memref<1x1xf32, #tpu.memory_space<smem>>
    } else {
    }
    %get3A_48 = arith.constant 0 : index
    %get3A_49 = arith.constant 0 : index
    %get3A_50 = memref.load %arg6[%get3A_48, %get3A_49] : memref<1x1xf32, #tpu.memory_space<smem>>
    %add3A_51 = arith.addf %get3A_50, %mul3A_45 : f32
    %swap3A = arith.constant 0 : index
    %swap3A_52 = arith.constant 0 : index
    %swap3A_53 = memref.load %arg6[%swap3A, %swap3A_52] : memref<1x1xf32, #tpu.memory_space<smem>>
    memref.store %add3A_51, %arg6[%swap3A, %swap3A_52] : memref<1x1xf32, #tpu.memory_space<smem>>
    return
  }
  func.func @transform_0(%arg0: i32) -> (i32, i32) {
    %c0_i32 = arith.constant 0 : i32
    %c0_i32_0 = arith.constant 0 : i32
    return %arg0, %c0_i32 : i32, i32
  }
  func.func @transform_1(%arg0: i32) -> (i32, i32) {
    %c0_i32 = arith.constant 0 : i32
    %c0_i32_0 = arith.constant 0 : i32
    %c0_i32_1 = arith.constant 0 : i32
    return %c0_i32, %c0_i32_0 : i32, i32
  }
  func.func @transform_2(%arg0: i32) -> (i32, i32) {
    %c0_i32 = arith.constant 0 : i32
    %c0_i32_0 = arith.constant 0 : i32
    %c0_i32_1 = arith.constant 0 : i32
    return %c0_i32, %c0_i32_0 : i32, i32
  }
  func.func @transform_3(%arg0: i32) -> (i32, i32) {
    %c0_i32 = arith.constant 0 : i32
    %c0_i32_0 = arith.constant 0 : i32
    %c0_i32_1 = arith.constant 0 : i32
    return %c0_i32, %c0_i32_0 : i32, i32
  }
  func.func @transform_4(%arg0: i32) -> (i32, i32) {
    %c0_i32 = arith.constant 0 : i32
    %c0_i32_0 = arith.constant 0 : i32
    %c0_i32_1 = arith.constant 0 : i32
    return %c0_i32, %c0_i32_0 : i32, i32
  }
  func.func @transform_5(%arg0: i32) -> (i32, i32) {
    %c0_i32 = arith.constant 0 : i32
    %c0_i32_0 = arith.constant 0 : i32
    %c0_i32_1 = arith.constant 0 : i32
    return %c0_i32, %c0_i32_0 : i32, i32
  }
}

</mosaic_0001>

<sc_bundles>
// kernel: kernel.5.cloned.1.call-start
scs
__scs_entry_jumppad:
0x0: {  	(pc) =	sbr.rel $0x88, $3  }
0x1: {  	(tag) =	ssettag $0x0;
	lr =	simm.s32 $0x1  }
0x2: {  	[smem:$0x3F98] =	sst lr;
	_ =	strace $0xD0000000  }
0x3: {  	_ = 	snop  }
0x4: {  	_ = 	snop  }
0x5: {  	_ = 	snop  }
0x6: {  	_ = 	snop  }
0x7: {  	_ = 	snop  }
__scs_overlays_trampoline_lowered:
0x8: {  	[smem:$0x3FA7] =	sst s0  }
0x9: {  	[smem:$0x3FA8] =	sst s1  }
0xa: {  	[smem:$0x3FA9] =	sst s2  }
0xb: {  	[smem:$0x3FAA] =	sst s3  }
0xc: {  	[smem:$0x3FAB] =	sst s4  }
0xd: {  	[smem:$0x3FAC] =	sst s5  }
0xe: {  	[smem:$0x3FAD] =	sst s6  }
0xf: {  	[smem:$0x3FAE] =	sst s7  }
0x10: {  	[smem:$0x3FAF] =	sst s8  }
0x11: {  	[smem:$0x3FB0] =	sst s9;
	s0 =	simm.s32 @!p0 $0x0  }
0x12: {  	s1 =	sld [smem:$0x3F96];
	s0 =	simm.s32 @p0 $0x1  }
0x13: {  	[smem:$0x3FB1] =	sst s0;
	s0 =	simm.s32 @!p1 $0x0  }
0x14: {  	s2 =	sld [smem:$0x3F95];
	s0 =	simm.s32 @p1 $0x1  }
0x15: {  	[smem:$0x3FB2] =	sst s0;
	s0 =	simm.s32 @!p2 $0x0  }
0x16: {  	s3 =	sld [smem:$0x3FDB];
	s0 =	simm.s32 @p2 $0x1  }
0x17: {  	s4 =	simm.s32 $0x1BF5;
	[smem:$0x3FB4] =	sst s0  }
0x18: {  	s0 =	sld [smem:$0x3F97];
	_ =	swait.ge [sflag:s4], $0x0  }
0x19: {  	s7 =	sld [smem:$0x3F98]  }
0x1a: {  	s8 =	sadd.s32 $0xFFFFE003, lr  }
0x1b: {  	s9 =	sadd.s32 $0xFFFFFEF7, lr;
	s5 =	simm.s32 $0xFFFFFFFF;
	p2 =	slt.u32 s8, $0xFFFFF086  }
0x1c: {  	p1 =	slt.u32 s9, $0xF7A;
	s5 =	simm.s32 @!p2 $0x0  }
0x1d: {  	s5 =	simm.s32 @p1 $0x1;
	p0 =	seq.s32 s7, s2  }
0x1e: {  	s7 =	smul.u32 @!p0 $0xF7A, s2;
	p2 =	seq.s32 @!p0 s5, $0x0  }
0x1f: {  	s9 =	smul.u32 $0xF7A, s1;
	s8 =	simm.s32 @!p0 $0x1BF5;
	p2 =	por !p2, p0  }
0x20: {  	[sflag:s8] =	ssyncset.s32 @!p0 $0xFFFFF086;
	s6 =	sadd.s32 @!p0 s3, s7;
	s7 =	simm.s32 @!p0 $0x108  }
0x21: {  	s3 =	sadd.s32 s3, s9;
	s6 =	sadd.s32 @!p0 $0x88, s6;
	s7 =	simm.s32 @p2 $0x1082  }
0x22: {  	[simem:s7], [sflag:s8] =	dma.local @!p0 [hbm:s6], $0xF7A  }
0x23: {  	s9 =	sor.u32 $0xD0000000, s2;
	s6 =	simm.s32 $0x108;
	_ =	swait.ge @!p0 [sflag:s8], $0x0  }
0x24: {  	s3 =	sadd.s32 $0x88, s3;
	s6 =	simm.s32 @!p1 $0x1082;
	[sflag:s4] =	ssyncset.s32 $0xFFFFF086  }
0x25: {  	[simem:s6], [sflag:s4] =	dma.local [hbm:s3], $0xF7A  }
0x26: {  	[smem:$0x3F98] =	sst s1;
	(tag) =	ssettag s2;
	_ =	strace s9  }
0x27: {  	s1 =	sld [smem:$0x3FA8]  }
0x28: {  	s2 =	sld [smem:$0x3FA9]  }
0x29: {  	s4 =	sld [smem:$0x3FAB]  }
0x2a: {  	p0 =	seq.s32 s5, $0x0;
	s5 =	sld [smem:$0x3FAC]  }
0x2b: {  	s6 =	sld [smem:$0x3FAD]  }
0x2c: {  	s7 =	sld [smem:$0x3FAE]  }
0x2d: {  	s3 =	simm.s32 $0x108;
	s8 =	sld [smem:$0x3FAF]  }
0x2e: {  	s3 =	simm.s32 @!p0 $0x1082;
	s9 =	sld [smem:$0x3FB0]  }
0x2f: {  	lr =	sadd.s32 s0, s3;
	s0 =	sld [smem:$0x3FA7]  }
0x30: {  	s3 =	sld [smem:$0x3FAA]  }
0x31: {  	[smem:$0x3FB3] =	sst s10  }
0x32: {  	s10 =	sld [smem:$0x3FB1];
	_ =	sdelay $0x3  }
0x33: {  	p0 =	seq.s32 s10, $0x1;
	s10 =	sld [smem:$0x3FB3];
	_ =	sdelay $0x3  }
0x34: {  	[smem:$0x3FB3] =	sst s10  }
0x35: {  	s10 =	sld [smem:$0x3FB2];
	_ =	sdelay $0x3  }
0x36: {  	p1 =	seq.s32 s10, $0x1;
	s10 =	sld [smem:$0x3FB3];
	_ =	sdelay $0x3  }
0x37: {  	[smem:$0x3FB3] =	sst s10  }
0x38: {  	s10 =	sld [smem:$0x3FB4]  }
0x39: {  	_ = 	snop;
	(pc) =	sbr.ind lr, $3  }
0x3a: {  	_ = 	snop  }
0x3b: {  	_ = 	snop  }
0x3c: {  	p2 =	seq.s32 s10, $0x1;
	s10 =	sld [smem:$0x3FB3]  }
0x3d: {  	_ =	shalt  }
0x3e: {  	_ =	shalt  }
0x3f: {  	_ =	shalt  }
0x40: {  	_ =	shalt  }
0x41: {  	_ =	shalt  }
0x42: {  	_ =	shalt  }
0x43: {  	_ =	shalt  }
0x44: {  	_ =	shalt  }
0x45: {  	_ =	shalt  }
0x46: {  	_ =	shalt  }
0x47: {  	_ =	shalt  }
0x48: {  	_ =	shalt  }
0x49: {  	_ =	shalt  }
0x4a: {  	_ =	shalt  }
0x4b: {  	_ =	shalt  }
0x4c: {  	_ =	shalt  }
0x4d: {  	_ =	shalt  }
0x4e: {  	_ =	shalt  }
0x4f: {  	_ =	shalt  }
0x50: {  	_ =	shalt  }
0x51: {  	_ =	shalt  }
0x52: {  	_ =	shalt  }
0x53: {  	_ =	shalt  }
0x54: {  	_ =	shalt  }
0x55: {  	_ =	shalt  }
0x56: {  	_ =	shalt  }
0x57: {  	_ =	shalt  }
0x58: {  	_ =	shalt  }
0x59: {  	_ =	shalt  }
0x5a: {  	_ =	shalt  }
0x5b: {  	_ =	shalt  }
0x5c: {  	_ =	shalt  }
0x5d: {  	_ =	shalt  }
0x5e: {  	_ =	shalt  }
0x5f: {  	_ =	shalt  }
0x60: {  	_ =	shalt  }
0x61: {  	_ =	shalt  }
0x62: {  	_ =	shalt  }
0x63: {  	_ =	shalt  }
0x64: {  	_ =	shalt  }
0x65: {  	_ =	shalt  }
0x66: {  	_ =	shalt  }
0x67: {  	_ =	shalt  }
0x68: {  	_ =	shalt  }
0x69: {  	_ =	shalt  }
0x6a: {  	_ =	shalt  }
0x6b: {  	_ =	shalt  }
0x6c: {  	_ =	shalt  }
0x6d: {  	_ =	shalt  }
0x6e: {  	_ =	shalt  }
0x6f: {  	_ =	shalt  }
0x70: {  	_ =	shalt  }
0x71: {  	_ =	shalt  }
0x72: {  	_ =	shalt  }
0x73: {  	_ =	shalt  }
0x74: {  	_ =	shalt  }
0x75: {  	_ =	shalt  }
0x76: {  	_ =	shalt  }
0x77: {  	_ =	shalt  }
0x78: {  	_ =	shalt  }
0x79: {  	_ =	shalt  }
0x7a: {  	_ =	shalt  }
0x7b: {  	_ =	shalt  }
0x7c: {  	_ =	shalt  }
0x7d: {  	_ =	shalt  }
0x7e: {  	_ =	shalt  }
0x7f: {  	_ =	shalt  }
0x80: {  	_ =	shalt  }
0x81: {  	_ =	shalt  }
0x82: {  	_ =	shalt  }
0x83: {  	_ =	shalt  }
0x84: {  	_ =	shalt  }
0x85: {  	_ =	shalt  }
0x86: {  	_ =	shalt  }
0x87: {  	_ =	shalt  }
.Lfunc_end0:
.L_simem_size_0:
called_computation_lowered:
.L_overlay_start_0:
0x88: {  	s2 =	sld [smem:$0x3FD9]  }
0x89: {  	s3 =	sld [smem:$0x3FFE];
	_ =	sdelay $0x1  }
0x8a: {  	s1 =	srdreg.scid  }
0x8b: {  	s0 =	sand.u32 $0x1, s1  }
0x8c: {  	s16 =	sshll.u32 s0, $0xA;
	s2 =	sadd.s32 s3, s2  }
0x8d: {  	s2 =	sadd.s32 s2, s16  }
0x8e: {  	[smem:$0x3FBF] =	sst s2  }
0x8f: {  	_ = 	snop  }
0x90: {  	(tm) =	ssettm $0x1  }
0x91: {  	s17 =	sld [smem:$0x3FFB];
	_ =	sdelay $0x3  }
0x92: {  	_ =	strace s17  }
0x93: {  	s2 =	sld [smem:$0x3FFC];
	_ =	sdelay $0x3  }
0x94: {  	_ =	strace s2  }
0x95: {  	s2 =	sld [smem:$0x3FFD];
	_ =	sdelay $0x3  }
0x96: {  	_ =	strace s2  }
0x97: {  	_ =	strace $0x8FFFFFFF  }
0x98: {  	s18 =	sld [smem:$0x3FDB];
	_ =	sdelay $0x1  }
0x99: {  	s19 =	simm.s32 $_scs_section_size  }
0x9a: {  	s4 =	simm.s32 $_size__tile_overlayer_lowered;
	s5 =	simm.s32 $_tile_overlayer_lowered  }
0x9b: {  	s22 =	simm.s32 $0x1BFF;
	s21 =	sshll.u32 s5, $0x1;
	s2 =	sadd.s32 s19, s18  }
0x9c: {  	s6 =	simm.s32 $0x0;
	s20 =	sshll.u32 s4, $0x1;
	s4 =	sadd.s32 s21, s2  }
0x9d: {  	[timem:s6], [sflag:s22] =	dma.local [hbm:s4], s20  }
0x9e: {  	_ =	swait.ge [sflag:s22], s20  }
0x9f: {  	s3 =	ssub.s32 $0x0, s20;
	[sflag:s22] =	ssyncset.done $0x0  }
0xa0: {  	[sflag:s22] =	ssyncadd.s32 s3;
	_ =	sdelay $0x1  }
0xa1: {  	s23 =	simm.s32 $0x1B8B  }
0xa2: {  	_ =	swait.ge [sflag:s23], $0x1  }
0xa3: {  	[sflag:s23] =	ssyncset.done $0x0  }
0xa4: {  	s25 =	simm.s32 $0x1B8E;
	s24 =	sld [smem:$0x3FFE];
	[sflag:s23] =	ssyncadd.s32 $0xFFFFFFFF  }
0xa5: {  	s26 =	simm.s32 $execute0_lowered;
	[smem:$0x3FD2] =	sst s25  }
0xa6: {  	s4 =	sshll.u32 s26, $0x1;
	_ =	strace $0x80000046;
	[dreg:$0x1] =	wrdreg $0xFFFFFFFF  }
0xa7: {  	s28 =	simm.s32 $_size_execute0_lowered;
	s2 =	sadd.s32 s2, s4;
	[dreg:$0x0] =	wrdreg $0x0  }
0xa8: {  	s4 =	sshll.u32 s28, $0x1;
	[dreg:$0x2] =	wrdreg s2  }
0xa9: {  	[dreg:$0x3] =	wrdreg s4  }
0xaa: {  	[dreg:$0x4] =	wrdreg $0xC0  }
0xab: {  	_ =	task [dreg:s6], $0x5FFFF  }
0xac: {  	[dreg:$0x1] =	wrdreg $0xFFFFFFFF  }
0xad: {  	[dreg:$0x0] =	wrdreg $0x60  }
0xae: {  	[dreg:$0x2] =	wrdreg s24  }
0xaf: {  	[dreg:$0x3] =	wrdreg $0x9  }
0xb0: {  	_ =	task.clear_ibuf [dreg:s6], $0x4FFFF;
	_ =	strace $0x90000046  }
0xb1: {  	s29 =	simm.s32 $0x9;
	_ =	strace $0x80000048  }
0xb2: {  	_ =	swait.ge [sflag:s29], $0x1  }
0xb3: {  	[sflag:s29] =	ssyncadd.s32 $0xFFFFFFFF  }
0xb4: {  	_ =	strace $0x90000048  }
0xb5: {  	_ =	sfence  }
0xb6: {  	s30 =	sld [smem:$0x0];
	_ =	sdelay $0x2  }
0xb7: {  	s31 =	sshll.u32 s1, $0xD;
	s1 =	sshrl.u32 s1, $0x2  }
0xb8: {  	s3 =	sand.u32 $0x4000, s31;
	s1 =	sadd.s32 s1, s30  }
0xb9: {  	s0 =	sor.u32 s3, s0;
	s1 =	sshll.u32 s1, $0x11  }
0xba: {  	s0 =	sor.u32 s1, s0  }
0xbb: {  	s0 =	sadd.s32 $0x8F2B, s0  }
0xbc: {  	[sflag:s0] =	ssyncadd.remote.s32 $0x1  }
0xbd: {  	_ =	sfence.sel $0xFFFF  }
0xbe: {  	[dreg:$0x0] =	wrdreg $0xFFFFFFFF;
	(pc) =	sbr.abs _section_cstart, $3  }
0xbf: {  	[dreg:$0x1] =	wrdreg $0xFFFFFFFF  }
0xc0: {  	_ =	task.clear_ibuf [dreg:s6], $0x2FFFF;
	_ =	strace $0x9FFFFFFF  }
0xc1: {  	(tm) =	ssettm $0x7FFFFFFF  }
tec
execute0_lowered:
.L_overlay_start_1:
0x0: {  	(tag) =	ssettag $0x1  }
0x1: {  	s0 =	rddreg [dreg:$0x0];
	s1 =	simm.s32 $0x0;
	s26 =	srdreg.scid  }
0x2: {  	s6 =	stileid.u32;
	s10 =	simm.s32 $0x3;
	s12 =	simm.s32 $0x100  }
0x3: {  	s29 =	simm.s32 $0x8100;
	s30 =	simm.s32 $0x8900;
	s31 =	simm.s32 $0x9100  }
0x4: {  	s9 =	simm.s32 $0xA900;
	s11 =	simm.s32 $0xB900;
	s13 =	simm.s32 $0xC100  }
0x5: {  	s14 =	simm.s32 $0xC900;
	s15 =	simm.s32 $0xD100;
	s16 =	simm.s32 $0xD900  }
0x6: {  	s17 =	simm.s32 $0xE100;
	s18 =	simm.s32 $0xE900;
	s19 =	simm.s32 $0x1  }
0x7: {  	s20 =	simm.s32 $0x2;
	s22 =	simm.s32 $0x0;
	[smem:$0x7FF] =	sst s1  }
0x8: {  	s3 =	sadd.s32 $0x3B400, s0;
	s4 =	sadd.s32 $0x89600, s0;
	s1 =	sand.u32 $0x1, s26  }
0x9: {  	s5 =	sadd.s32 $0x800, s0;
	s7 =	sshll.u32 s6, $0x1;
	s2 =	ssub.s32 $0x2, s1  }
0xa: {  	s6 =	sadd.s32 $0x1DE00, s0;
	_ =	strace $0x80000047;
	s8 =	sshrl.u32 s2, $0x1  }
0xb: {  	v2 =	vlaneseq.u32;
	s1 =	sor.u32 s1, s7;
	s7 =	sadd.s32 $0xD7800, s0;
	s28 =	ssub.s32 s2, s8  }
0xc: {  	vm0 =	vmmov $0xffff;
	v1 =	vshrl.u32 v2, $0x3;
	s8 =	smul.u32 $0x7530, s1;
	s2 =	simm.s32 $0xA100;
	s0 =	smax.u32 s28, $0x1  }
0xd: {  	v0 =	vand.u32 $0x7, v2;
	v2 =	vor.u32 $0x8, v2;
	v1 =	vmul.u32 $0x8, v1;
	s1 =	simm.s32 $0xB100;
	[dreg:$0x2] =	wrdreg s0;
	s0 =	simm.s32 $0x9900  }
.LBB2_1:
0xe: {  	[dreg:$0x3] =	wrdreg s22;
	s21 =	simm.s32 $0x0  }
.LBB2_2:
0xf: {  	s22 =	smul.u32 $0x78, s21;
	_ =	sdelay $0x1  }
0x10: {  	s22 =	sadd.s32 s8, s22  }
0x11: {  	s24 =	sshrl.u32 s22, $0x3  }
0x12: {  	s23 =	simm.s32 $0x0;
	s25 =	sadd.s32 s5, s24  }
0x13: {  	[tilespmem:s23], [sflag:$0x3] =	stream.linear.gather [hbm4b:s25+s23], $0x78, $0x38;
	[tilespmem:$0xF100] =	vst v63  }
0x14: {  	_ =	swait.ge [sflag:s10], $0x78  }
0x15: {  	[sflag:s10] =	ssyncset.done $0x0  }
0x16: {  	s26 =	simm.s32 $0x80;
	s24 =	sadd.s32 s6, s24;
	[sflag:s10] =	ssyncadd.s32 $0xFFFFFF88  }
0x17: {  	[tilespmem:s26], [sflag:$0x3] =	stream.linear.gather [hbm4b:s24+s23], $0x78, $0x38;
	[tilespmem:$0xF100] =	vst v63  }
0x18: {  	_ =	swait.ge [sflag:s10], $0x78  }
0x19: {  	[sflag:s10] =	ssyncset.done $0x0  }
0x1a: {  	[sflag:s10] =	ssyncadd.s32 $0xFFFFFF88  }
0x1b: {  	v3 =	vld [tilespmem:$0x0];
	_ =	sdelay $0x4  }
0x1c: {  	v4 =	vshll.u32 v3, $0x1  }
0x1d: {  	v3 =	vand.u32 $0x7, v3;
	v4 =	vand.u32 $0xFFFFFFF0, v4  }
0x1e: {  	v3 =	vor.u32 v3, v4  }
0x1f: {  	v4 =	vperm.xlane v3, v0;
	_ =	sdelay $0x1  }
0x20: {  	v3 =	vperm.xlane v3, v2;
	v4 =	vadd.s32 v1, v4;
	_ =	sdelay $0x1  }
0x21: {  	v3 =	vadd.s32 v1, v3;
	_ =	sdelay $0x2  }
0x22: {  	[tilespmem:s12], [sflag:$0x1] =	stream.indirect_vreg.gather [hbm4b:s3+s23], $0x80, v4, vm0, $0xb8;
	[tilespmem:$0xF100] =	vst v63  }
0x23: {  	s28 =	simm.s32 $0x900  }
0x24: {  	[tilespmem:s28], [sflag:$0x1] =	stream.indirect_vreg.gather [hbm4b:s3+s23], $0x80, v3, vm0, $0xb8;
	[tilespmem:$0xF100] =	vst v63  }
0x25: {  	v3 =	vld [tilespmem:$0x10];
	_ =	sdelay $0x4  }
0x26: {  	v4 =	vshll.u32 v3, $0x1  }
0x27: {  	v3 =	vand.u32 $0x7, v3;
	v4 =	vand.u32 $0xFFFFFFF0, v4  }
0x28: {  	v3 =	vor.u32 v3, v4  }
0x29: {  	v4 =	vperm.xlane v3, v0;
	_ =	sdelay $0x1  }
0x2a: {  	v3 =	vperm.xlane v3, v2;
	v4 =	vadd.s32 v1, v4;
	_ =	sdelay $0x1  }
0x2b: {  	v3 =	vadd.s32 v1, v3;
	_ =	sdelay $0x1  }
0x2c: {  	s25 =	simm.s32 $0x1100  }
0x2d: {  	[tilespmem:s25], [sflag:$0x1] =	stream.indirect_vreg.gather [hbm4b:s3+s23], $0x80, v4, vm0, $0xb8;
	[tilespmem:$0xF100] =	vst v63  }
0x2e: {  	s26 =	simm.s32 $0x1900  }
0x2f: {  	[tilespmem:s26], [sflag:$0x1] =	stream.indirect_vreg.gather [hbm4b:s3+s23], $0x80, v3, vm0, $0xb8;
	[tilespmem:$0xF100] =	vst v63  }
0x30: {  	v3 =	vld [tilespmem:$0x20];
	_ =	sdelay $0x4  }
0x31: {  	v4 =	vshll.u32 v3, $0x1  }
0x32: {  	v3 =	vand.u32 $0x7, v3;
	v4 =	vand.u32 $0xFFFFFFF0, v4  }
0x33: {  	v3 =	vor.u32 v3, v4  }
0x34: {  	v4 =	vperm.xlane v3, v0;
	_ =	sdelay $0x1  }
0x35: {  	v3 =	vperm.xlane v3, v2;
	v4 =	vadd.s32 v1, v4;
	_ =	sdelay $0x1  }
0x36: {  	v3 =	vadd.s32 v1, v3;
	_ =	sdelay $0x1  }
0x37: {  	s28 =	simm.s32 $0x2100  }
0x38: {  	[tilespmem:s28], [sflag:$0x1] =	stream.indirect_vreg.gather [hbm4b:s3+s23], $0x80, v4, vm0, $0xb8;
	[tilespmem:$0xF100] =	vst v63  }
0x39: {  	s25 =	simm.s32 $0x2900  }
0x3a: {  	[tilespmem:s25], [sflag:$0x1] =	stream.indirect_vreg.gather [hbm4b:s3+s23], $0x80, v3, vm0, $0xb8;
	[tilespmem:$0xF100] =	vst v63  }
0x3b: {  	v3 =	vld [tilespmem:$0x30];
	_ =	sdelay $0x4  }
0x3c: {  	v4 =	vshll.u32 v3, $0x1  }
0x3d: {  	v3 =	vand.u32 $0x7, v3;
	v4 =	vand.u32 $0xFFFFFFF0, v4  }
0x3e: {  	v3 =	vor.u32 v3, v4  }
0x3f: {  	v4 =	vperm.xlane v3, v0;
	_ =	sdelay $0x1  }
0x40: {  	v3 =	vperm.xlane v3, v2;
	v4 =	vadd.s32 v1, v4;
	_ =	sdelay $0x1  }
0x41: {  	v3 =	vadd.s32 v1, v3;
	_ =	sdelay $0x1  }
0x42: {  	s26 =	simm.s32 $0x3100  }
0x43: {  	[tilespmem:s26], [sflag:$0x1] =	stream.indirect_vreg.gather [hbm4b:s3+s23], $0x80, v4, vm0, $0xb8;
	[tilespmem:$0xF100] =	vst v63  }
0x44: {  	s28 =	simm.s32 $0x3900  }
0x45: {  	[tilespmem:s28], [sflag:$0x1] =	stream.indirect_vreg.gather [hbm4b:s3+s23], $0x80, v3, vm0, $0xb8;
	[tilespmem:$0xF100] =	vst v63  }
0x46: {  	v3 =	vld [tilespmem:$0x40];
	_ =	sdelay $0x4  }
0x47: {  	v4 =	vshll.u32 v3, $0x1  }
0x48: {  	v3 =	vand.u32 $0x7, v3;
	v4 =	vand.u32 $0xFFFFFFF0, v4  }
0x49: {  	v3 =	vor.u32 v3, v4  }
0x4a: {  	v4 =	vperm.xlane v3, v0;
	_ =	sdelay $0x1  }
0x4b: {  	v3 =	vperm.xlane v3, v2;
	v4 =	vadd.s32 v1, v4;
	_ =	sdelay $0x1  }
0x4c: {  	v3 =	vadd.s32 v1, v3;
	_ =	sdelay $0x1  }
0x4d: {  	s25 =	simm.s32 $0x4100  }
0x4e: {  	[tilespmem:s25], [sflag:$0x1] =	stream.indirect_vreg.gather [hbm4b:s3+s23], $0x80, v4, vm0, $0xb8;
	[tilespmem:$0xF100] =	vst v63  }
0x4f: {  	s26 =	simm.s32 $0x4900  }
0x50: {  	[tilespmem:s26], [sflag:$0x1] =	stream.indirect_vreg.gather [hbm4b:s3+s23], $0x80, v3, vm0, $0xb8;
	[tilespmem:$0xF100] =	vst v63  }
0x51: {  	v3 =	vld [tilespmem:$0x50];
	_ =	sdelay $0x4  }
0x52: {  	v4 =	vshll.u32 v3, $0x1  }
0x53: {  	v3 =	vand.u32 $0x7, v3;
	v4 =	vand.u32 $0xFFFFFFF0, v4  }
0x54: {  	v3 =	vor.u32 v3, v4  }
0x55: {  	v4 =	vperm.xlane v3, v0;
	_ =	sdelay $0x1  }
0x56: {  	v3 =	vperm.xlane v3, v2;
	v4 =	vadd.s32 v1, v4;
	_ =	sdelay $0x1  }
0x57: {  	v3 =	vadd.s32 v1, v3;
	_ =	sdelay $0x1  }
0x58: {  	s28 =	simm.s32 $0x5100  }
0x59: {  	[tilespmem:s28], [sflag:$0x1] =	stream.indirect_vreg.gather [hbm4b:s3+s23], $0x80, v4, vm0, $0xb8;
	[tilespmem:$0xF100] =	vst v63  }
0x5a: {  	s25 =	simm.s32 $0x5900  }
0x5b: {  	[tilespmem:s25], [sflag:$0x1] =	stream.indirect_vreg.gather [hbm4b:s3+s23], $0x80, v3, vm0, $0xb8;
	[tilespmem:$0xF100] =	vst v63  }
0x5c: {  	v3 =	vld [tilespmem:$0x60];
	_ =	sdelay $0x4  }
0x5d: {  	v4 =	vshll.u32 v3, $0x1  }
0x5e: {  	v3 =	vand.u32 $0x7, v3;
	v4 =	vand.u32 $0xFFFFFFF0, v4  }
0x5f: {  	v3 =	vor.u32 v3, v4  }
0x60: {  	v4 =	vperm.xlane v3, v0;
	_ =	sdelay $0x1  }
0x61: {  	v3 =	vperm.xlane v3, v2;
	v4 =	vadd.s32 v1, v4;
	_ =	sdelay $0x1  }
0x62: {  	v3 =	vadd.s32 v1, v3;
	_ =	sdelay $0x1  }
0x63: {  	s26 =	simm.s32 $0x6100  }
0x64: {  	[tilespmem:s26], [sflag:$0x1] =	stream.indirect_vreg.gather [hbm4b:s3+s23], $0x80, v4, vm0, $0xb8;
	[tilespmem:$0xF100] =	vst v63  }
0x65: {  	s28 =	simm.s32 $0x6900  }
0x66: {  	[tilespmem:s28], [sflag:$0x1] =	stream.indirect_vreg.gather [hbm4b:s3+s23], $0x80, v3, vm0, $0xb8;
	[tilespmem:$0xF100] =	vst v63  }
0x67: {  	v3 =	vld.msk [tilespmem:$0x70], $0xff;
	_ =	sdelay $0x4  }
0x68: {  	v4 =	vshll.u32 v3, $0x1  }
0x69: {  	v3 =	vand.u32 $0x7, v3;
	v4 =	vand.u32 $0xFFFFFFF0, v4  }
0x6a: {  	v3 =	vor.u32 v3, v4  }
0x6b: {  	v3 =	vperm.xlane v3, v0;
	_ =	sdelay $0x1  }
0x6c: {  	v3 =	vadd.s32 v1, v3;
	_ =	sdelay $0x3  }
0x6d: {  	s25 =	simm.s32 $0x7100  }
0x6e: {  	[tilespmem:s25], [sflag:$0x1] =	stream.indirect_vreg.gather [hbm4b:s3+s23], $0x80, v3, vm0, $0xb8;
	[tilespmem:$0xF100] =	vst v63  }
0x6f: {  	v3 =	vld [tilespmem:$0x80];
	_ =	sdelay $0x4  }
0x70: {  	v4 =	vshll.u32 v3, $0x1  }
0x71: {  	v3 =	vand.u32 $0x7, v3;
	v4 =	vand.u32 $0xFFFFFFF0, v4  }
0x72: {  	v3 =	vor.u32 v3, v4  }
0x73: {  	v4 =	vperm.xlane v3, v0;
	_ =	sdelay $0x1  }
0x74: {  	v3 =	vperm.xlane v3, v2;
	v4 =	vadd.s32 v1, v4;
	_ =	sdelay $0x1  }
0x75: {  	v3 =	vadd.s32 v1, v3;
	_ =	sdelay $0x1  }
0x76: {  	s26 =	simm.s32 $0x7900  }
0x77: {  	[tilespmem:s26], [sflag:$0x2] =	stream.indirect_vreg.gather [hbm4b:s4+s23], $0x80, v4, vm0, $0xb8;
	[tilespmem:$0xF100] =	vst v63  }
0x78: {  	_ = 	snop  }
0x79: {  	[tilespmem:s29], [sflag:$0x2] =	stream.indirect_vreg.gather [hbm4b:s4+s23], $0x80, v3, vm0, $0xb8;
	[tilespmem:$0xF100] =	vst v63  }
0x7a: {  	v3 =	vld [tilespmem:$0x90];
	_ =	sdelay $0x4  }
0x7b: {  	v4 =	vshll.u32 v3, $0x1  }
0x7c: {  	v3 =	vand.u32 $0x7, v3;
	v4 =	vand.u32 $0xFFFFFFF0, v4  }
0x7d: {  	v3 =	vor.u32 v3, v4  }
0x7e: {  	v4 =	vperm.xlane v3, v0;
	_ =	sdelay $0x1  }
0x7f: {  	v3 =	vperm.xlane v3, v2;
	v4 =	vadd.s32 v1, v4;
	_ =	sdelay $0x1  }
0x80: {  	v3 =	vadd.s32 v1, v3;
	_ =	sdelay $0x2  }
0x81: {  	[tilespmem:s30], [sflag:$0x2] =	stream.indirect_vreg.gather [hbm4b:s4+s23], $0x80, v4, vm0, $0xb8;
	[tilespmem:$0xF100] =	vst v63  }
0x82: {  	_ = 	snop  }
0x83: {  	[tilespmem:s31], [sflag:$0x2] =	stream.indirect_vreg.gather [hbm4b:s4+s23], $0x80, v3, vm0, $0xb8;
	[tilespmem:$0xF100] =	vst v63  }
0x84: {  	v3 =	vld [tilespmem:$0xA0];
	_ =	sdelay $0x4  }
0x85: {  	v4 =	vshll.u32 v3, $0x1  }
0x86: {  	v3 =	vand.u32 $0x7, v3;
	v4 =	vand.u32 $0xFFFFFFF0, v4  }
0x87: {  	v3 =	vor.u32 v3, v4  }
0x88: {  	v4 =	vperm.xlane v3, v0;
	_ =	sdelay $0x1  }
0x89: {  	v3 =	vperm.xlane v3, v2;
	v4 =	vadd.s32 v1, v4;
	_ =	sdelay $0x1  }
0x8a: {  	v3 =	vadd.s32 v1, v3;
	_ =	sdelay $0x2  }
0x8b: {  	[tilespmem:s0], [sflag:$0x2] =	stream.indirect_vreg.gather [hbm4b:s4+s23], $0x80, v4, vm0, $0xb8;
	[tilespmem:$0xF100] =	vst v63  }
0x8c: {  	_ = 	snop  }
0x8d: {  	[tilespmem:s2], [sflag:$0x2] =	stream.indirect_vreg.gather [hbm4b:s4+s23], $0x80, v3, vm0, $0xb8;
	[tilespmem:$0xF100] =	vst v63  }
0x8e: {  	v3 =	vld [tilespmem:$0xB0];
	_ =	sdelay $0x4  }
0x8f: {  	v4 =	vshll.u32 v3, $0x1  }
0x90: {  	v3 =	vand.u32 $0x7, v3;
	v4 =	vand.u32 $0xFFFFFFF0, v4  }
0x91: {  	v3 =	vor.u32 v3, v4  }
0x92: {  	v4 =	vperm.xlane v3, v0;
	_ =	sdelay $0x1  }
0x93: {  	v3 =	vperm.xlane v3, v2;
	v4 =	vadd.s32 v1, v4;
	_ =	sdelay $0x1  }
0x94: {  	v3 =	vadd.s32 v1, v3;
	_ =	sdelay $0x2  }
0x95: {  	[tilespmem:s9], [sflag:$0x2] =	stream.indirect_vreg.gather [hbm4b:s4+s23], $0x80, v4, vm0, $0xb8;
	[tilespmem:$0xF100] =	vst v63  }
0x96: {  	_ = 	snop  }
0x97: {  	[tilespmem:s1], [sflag:$0x2] =	stream.indirect_vreg.gather [hbm4b:s4+s23], $0x80, v3, vm0, $0xb8;
	[tilespmem:$0xF100] =	vst v63  }
0x98: {  	v3 =	vld [tilespmem:$0xC0];
	_ =	sdelay $0x4  }
0x99: {  	v4 =	vshll.u32 v3, $0x1  }
0x9a: {  	v3 =	vand.u32 $0x7, v3;
	v4 =	vand.u32 $0xFFFFFFF0, v4  }
0x9b: {  	v3 =	vor.u32 v3, v4  }
0x9c: {  	v4 =	vperm.xlane v3, v0;
	_ =	sdelay $0x1  }
0x9d: {  	v3 =	vperm.xlane v3, v2;
	v4 =	vadd.s32 v1, v4;
	_ =	sdelay $0x1  }
0x9e: {  	v3 =	vadd.s32 v1, v3;
	_ =	sdelay $0x2  }
0x9f: {  	[tilespmem:s11], [sflag:$0x2] =	stream.indirect_vreg.gather [hbm4b:s4+s23], $0x80, v4, vm0, $0xb8;
	[tilespmem:$0xF100] =	vst v63  }
0xa0: {  	_ = 	snop  }
0xa1: {  	[tilespmem:s13], [sflag:$0x2] =	stream.indirect_vreg.gather [hbm4b:s4+s23], $0x80, v3, vm0, $0xb8;
	[tilespmem:$0xF100] =	vst v63  }
0xa2: {  	v3 =	vld [tilespmem:$0xD0];
	_ =	sdelay $0x4  }
0xa3: {  	v4 =	vshll.u32 v3, $0x1  }
0xa4: {  	v3 =	vand.u32 $0x7, v3;
	v4 =	vand.u32 $0xFFFFFFF0, v4  }
0xa5: {  	v3 =	vor.u32 v3, v4  }
0xa6: {  	v4 =	vperm.xlane v3, v0;
	_ =	sdelay $0x1  }
0xa7: {  	v3 =	vperm.xlane v3, v2;
	v4 =	vadd.s32 v1, v4;
	_ =	sdelay $0x1  }
0xa8: {  	v3 =	vadd.s32 v1, v3;
	_ =	sdelay $0x2  }
0xa9: {  	[tilespmem:s14], [sflag:$0x2] =	stream.indirect_vreg.gather [hbm4b:s4+s23], $0x80, v4, vm0, $0xb8;
	[tilespmem:$0xF100] =	vst v63  }
0xaa: {  	_ = 	snop  }
0xab: {  	[tilespmem:s15], [sflag:$0x2] =	stream.indirect_vreg.gather [hbm4b:s4+s23], $0x80, v3, vm0, $0xb8;
	[tilespmem:$0xF100] =	vst v63  }
0xac: {  	v3 =	vld [tilespmem:$0xE0];
	_ =	sdelay $0x4  }
0xad: {  	v4 =	vshll.u32 v3, $0x1  }
0xae: {  	v3 =	vand.u32 $0x7, v3;
	v4 =	vand.u32 $0xFFFFFFF0, v4  }
0xaf: {  	v3 =	vor.u32 v3, v4  }
0xb0: {  	v4 =	vperm.xlane v3, v0;
	_ =	sdelay $0x1  }
0xb1: {  	v3 =	vperm.xlane v3, v2;
	v4 =	vadd.s32 v1, v4;
	_ =	sdelay $0x1  }
0xb2: {  	v3 =	vadd.s32 v1, v3;
	_ =	sdelay $0x2  }
0xb3: {  	[tilespmem:s16], [sflag:$0x2] =	stream.indirect_vreg.gather [hbm4b:s4+s23], $0x80, v4, vm0, $0xb8;
	[tilespmem:$0xF100] =	vst v63  }
0xb4: {  	_ = 	snop  }
0xb5: {  	[tilespmem:s17], [sflag:$0x2] =	stream.indirect_vreg.gather [hbm4b:s4+s23], $0x80, v3, vm0, $0xb8;
	[tilespmem:$0xF100] =	vst v63  }
0xb6: {  	v3 =	vld.msk [tilespmem:$0xF0], $0xff;
	_ =	sdelay $0x4  }
0xb7: {  	v4 =	vshll.u32 v3, $0x1  }
0xb8: {  	v3 =	vand.u32 $0x7, v3;
	v4 =	vand.u32 $0xFFFFFFF0, v4  }
0xb9: {  	v3 =	vor.u32 v3, v4  }
0xba: {  	v3 =	vperm.xlane v3, v0;
	_ =	sdelay $0x1  }
0xbb: {  	v3 =	vadd.s32 v1, v3;
	_ =	sdelay $0x4  }
0xbc: {  	[tilespmem:s18], [sflag:$0x2] =	stream.indirect_vreg.gather [hbm4b:s4+s23], $0x80, v3, vm0, $0xb8;
	[tilespmem:$0xF100] =	vst v63  }
0xbd: {  	_ =	swait.ge [sflag:s19], $0x7800  }
0xbe: {  	[sflag:s19] =	ssyncset.done $0x0  }
0xbf: {  	[sflag:s19] =	ssyncadd.s32 $0xFFFF8800  }
0xc0: {  	_ =	swait.ge [sflag:s20], $0x7800  }
0xc1: {  	s28 =	sand.u32 $0x7800, s23;
	s23 =	sand.u32 $0x380, s23;
	[sflag:s20] =	ssyncset.done $0x0  }
0xc2: {  	s23 =	sor.u32 s23, s28;
	[sflag:s20] =	ssyncadd.s32 $0xFFFF8800  }
0xc3: {  	v10 =	vld [tilespmem:s23+$0x7900]  }
0xc4: {  	v11 =	vld [tilespmem:s23+$0x7910]  }
0xc5: {  	v12 =	vld [tilespmem:s23+$0x7920]  }
0xc6: {  	v13 =	vld [tilespmem:s23+$0x7930]  }
0xc7: {  	v14 =	vld [tilespmem:s23+$0x7940]  }
0xc8: {  	v15 =	vld [tilespmem:s23+$0x7950]  }
0xc9: {  	v16 =	vld [tilespmem:s23+$0x7960]  }
0xca: {  	v17 =	vld [tilespmem:s23+$0x7970]  }
0xcb: {  	v18 =	vld [tilespmem:s23+$0x7D00]  }
0xcc: {  	v9 =	vld [tilespmem:s23+$0x7D10]  }
0xcd: {  	v8 =	vld [tilespmem:s23+$0x7D20]  }
0xce: {  	v7 =	vld [tilespmem:s23+$0x7D30]  }
0xcf: {  	v6 =	vld [tilespmem:s23+$0x7D40]  }
0xd0: {  	v5 =	vld [tilespmem:s23+$0x7D50]  }
0xd1: {  	v4 =	vld [tilespmem:s23+$0x7D60]  }
0xd2: {  	v3 =	vld [tilespmem:s23+$0x7D70]  }
0xd3: {  	v19 =	vld [tilespmem:s23+$0x100]  }
0xd4: {  	v20 =	vld [tilespmem:s23+$0x110]  }
0xd5: {  	v21 =	vld [tilespmem:s23+$0x120]  }
0xd6: {  	v22 =	vld [tilespmem:s23+$0x130]  }
0xd7: {  	v23 =	vld [tilespmem:s23+$0x140]  }
0xd8: {  	v10 =	vadd.f32 v10, v19;
	v19 =	vld [tilespmem:s23+$0x150]  }
0xd9: {  	v61 =	vld [tilespmem:s23+$0x160];
	v11 =	vadd.f32 v11, v20  }
0xda: {  	v62 =	vld [tilespmem:s23+$0x170];
	[tilespmem:s23+$0x100] =	vst v10;
	v10 =	vadd.f32 v12, v21  }
0xdb: {  	v63 =	vld [tilespmem:s23+$0x500];
	[tilespmem:s23+$0x110] =	vst v11;
	v11 =	vadd.f32 v13, v22  }
0xdc: {  	v13 =	vld [tilespmem:s23+$0x510];
	[tilespmem:s23+$0x120] =	vst v10;
	v10 =	vadd.f32 v14, v23  }
0xdd: {  	v12 =	vld [tilespmem:s23+$0x520];
	[tilespmem:s23+$0x130] =	vst v11;
	v11 =	vadd.f32 v15, v19  }
0xde: {  	v14 =	vadd.f32 v16, v61;
	[tilespmem:s23+$0x140] =	vst v10;
	v10 =	vld [tilespmem:s23+$0x530]  }
0xdf: {  	v16 =	vadd.f32 v17, v62;
	[tilespmem:s23+$0x150] =	vst v11;
	v11 =	vld [tilespmem:s23+$0x540]  }
0xe0: {  	s24 =	simm.s32 $0x80;
	s25 =	simm.s32 $0x100;
	v15 =	vadd.f32 v18, v63;
	[tilespmem:s23+$0x160] =	vst v14;
	v14 =	vld [tilespmem:s23+$0x550]  }
.LBB2_3:
0xe1: {  	s26 =	sand.u32 $0x7800, s25;
	s28 =	sand.u32 $0x380, s24;
	p0 =	sne.s32 s25, $0x7700;
	[tilespmem:s23+$0x170] =	vst v16;
	v9 =	vadd.f32 v9, v13;
	v13 =	vld [tilespmem:s23+$0x560]  }
0xe2: {  	s26 =	sor.u32 s28, s26;
	[tilespmem:s23+$0x500] =	vst v15;
	v8 =	vadd.f32 v8, v12;
	v12 =	vld [tilespmem:s23+$0x570]  }
0xe3: {  	v15 =	vld [tilespmem:s26+$0x7900];
	[tilespmem:s23+$0x510] =	vst v9;
	v7 =	vadd.f32 v7, v10  }
0xe4: {  	v10 =	vld [tilespmem:s26+$0x7910];
	[tilespmem:s23+$0x520] =	vst v8;
	v6 =	vadd.f32 v6, v11  }
0xe5: {  	v11 =	vld [tilespmem:s26+$0x7920];
	[tilespmem:s23+$0x530] =	vst v7;
	v5 =	vadd.f32 v5, v14  }
0xe6: {  	v14 =	vld [tilespmem:s26+$0x7930];
	[tilespmem:s23+$0x540] =	vst v6;
	v4 =	vadd.f32 v4, v13  }
0xe7: {  	v13 =	vld [tilespmem:s26+$0x7940];
	[tilespmem:s23+$0x550] =	vst v5;
	v3 =	vadd.f32 v3, v12  }
0xe8: {  	v12 =	vld [tilespmem:s26+$0x7950];
	[tilespmem:s23+$0x560] =	vst v4  }
0xe9: {  	v16 =	vld [tilespmem:s26+$0x7960];
	[tilespmem:s23+$0x570] =	vst v3;
	s23 =	smov.u32 s26  }
0xea: {  	v17 =	vld [tilespmem:s23+$0x7970]  }
0xeb: {  	v18 =	vld [tilespmem:s23+$0x7D00]  }
0xec: {  	v9 =	vld [tilespmem:s23+$0x7D10]  }
0xed: {  	v8 =	vld [tilespmem:s23+$0x7D20]  }
0xee: {  	v7 =	vld [tilespmem:s23+$0x7D30]  }
0xef: {  	v6 =	vld [tilespmem:s23+$0x7D40]  }
0xf0: {  	v5 =	vld [tilespmem:s23+$0x7D50]  }
0xf1: {  	v4 =	vld [tilespmem:s23+$0x7D60]  }
0xf2: {  	v3 =	vld [tilespmem:s23+$0x7D70]  }
0xf3: {  	v19 =	vld [tilespmem:s23+$0x100]  }
0xf4: {  	v20 =	vld [tilespmem:s23+$0x110]  }
0xf5: {  	v21 =	vld [tilespmem:s23+$0x120]  }
0xf6: {  	v22 =	vld [tilespmem:s23+$0x130]  }
0xf7: {  	v23 =	vld [tilespmem:s23+$0x140]  }
0xf8: {  	v15 =	vadd.f32 v15, v19;
	v19 =	vld [tilespmem:s23+$0x150]  }
0xf9: {  	v10 =	vadd.f32 v10, v20;
	v20 =	vld [tilespmem:s23+$0x160]  }
0xfa: {  	[tilespmem:s23+$0x100] =	vst v15;
	v11 =	vadd.f32 v11, v21;
	v15 =	vld [tilespmem:s23+$0x170]  }
0xfb: {  	[tilespmem:s23+$0x110] =	vst v10;
	v10 =	vadd.f32 v14, v22;
	v14 =	vld [tilespmem:s23+$0x500]  }
.Ltmp0:
0xfc: {  	[tilespmem:s23+$0x120] =	vst v11;
	v11 =	vadd.f32 v13, v23;
	v13 =	vld [tilespmem:s23+$0x510];
	(pc) =	sbr.rel @p0 .LBB2_3-.Ltmp0, $4  }
0xfd: {  	[tilespmem:s23+$0x130] =	vst v10;
	v19 =	vadd.f32 v12, v19;
	v12 =	vld [tilespmem:s23+$0x520]  }
0xfe: {  	[tilespmem:s23+$0x140] =	vst v11;
	v20 =	vadd.f32 v16, v20;
	v10 =	vld [tilespmem:s23+$0x530]  }
0xff: {  	[tilespmem:s23+$0x150] =	vst v19;
	v16 =	vadd.f32 v17, v15;
	v11 =	vld [tilespmem:s23+$0x540]  }
0x100: {  	s24 =	sadd.s32 $0x80, s24;
	s25 =	sadd.s32 $0x100, s25;
	[tilespmem:s23+$0x160] =	vst v20;
	v15 =	vadd.f32 v18, v14;
	v14 =	vld [tilespmem:s23+$0x550]  }
0x101: {  	[tilespmem:s23+$0x170] =	vst v16;
	v9 =	vadd.f32 v9, v13;
	v62 =	vld [tilespmem:s23+$0x560]  }
0x102: {  	v63 =	vld [tilespmem:s23+$0x570];
	[tilespmem:s23+$0x500] =	vst v15;
	v8 =	vadd.f32 v8, v12  }
0x103: {  	[tilespmem:s23+$0x510] =	vst v9;
	v7 =	vadd.f32 v7, v10  }
0x104: {  	[tilespmem:s23+$0x520] =	vst v8;
	v6 =	vadd.f32 v6, v11  }
0x105: {  	[tilespmem:s23+$0x530] =	vst v7;
	v5 =	vadd.f32 v5, v14  }
0x106: {  	[tilespmem:s23+$0x540] =	vst v6;
	v4 =	vadd.f32 v4, v62  }
0x107: {  	s21 =	sadd.s32 $0x1, s21;
	v3 =	vadd.f32 v3, v63;
	[tilespmem:s23+$0x550] =	vst v5  }
0x108: {  	s22 =	sshll.u32 s22, $0x5;
	p0 =	sne.s32 s21, $0xFA;
	[tilespmem:s23+$0x560] =	vst v4  }
.Ltmp1:
0x109: {  	s28 =	simm.s32 $0x0;
	s22 =	sadd.s32 s7, s22;
	[tilespmem:s23+$0x570] =	vst v3;
	(pc) =	sbr.rel @p0 .LBB2_2-.Ltmp1, $4  }
0x10a: {  	[hbm4b:s22+s28] =	stream.linear.scatter [tilespmem:s12], [sflag:$0x3], $0x7800, $0x38;
	[tilespmem:$0xF100] =	vst v63  }
0x10b: {  	_ =	swait.ge [sflag:s10], $0x7800  }
0x10c: {  	[sflag:s10] =	ssyncset.done $0x0  }
0x10d: {  	[sflag:s10] =	ssyncadd.s32 $0xFFFF8800  }
0x10e: {  	s22 =	rddreg [dreg:$0x3]  }
0x10f: {  	s21 =	rddreg [dreg:$0x2];
	s22 =	sadd.s32 $0x1, s22  }
0x110: {  	p0 =	sne.s32 s22, s21  }
.Ltmp2:
0x111: {  	_ = 	snop;
	(pc) =	sbr.rel @p0 .LBB2_1-.Ltmp2, $1  }
0x112: {  	_ =	sdelay $0x3  }
0x113: {  	_ =	sfence.sel $0x180000  }
0x114: {  	[bflag:$0x0] =	sbarrier.arrive $0xFFFF  }
0x115: {  	_ =	strace $0x90000047  }
0x116: {  	s0 =	stileid.u32;
	[bflag:$0x2] =	sbarrier.arrive $0xFFFF  }
0x117: {  	p0 =	sne.s32 s0, $0x0;
	s0 =	rddreg [dreg:$0x1]  }
0x118: {  	s0 =	sadd.s32 @!p0 $0x100000, s0  }
0x119: {  	[sflag:s0] =	ssyncadd.tile.s32 @!p0 $0x1;
	_ =	shalt  }
.Lfunc_end2:
_tile_overlayer_lowered:
.L_overlay_start_2:
0x11a: {  	(tag) =	ssettag $0x2  }
0x11b: {  	s0 =	rddreg [dreg:$0x0];
	s2 =	stileid.u32  }
0x11c: {  	s1 =	rddreg [dreg:$0x1];
	p0 =	sne.s32 s2, $0x0  }
0x11d: {  	s3 =	rddreg [dreg:$0x2];
	[bflag:$0x3] =	sbarrier.arrive $0xFFFF;
	s2 =	simm.s32 @!p0 $0x1C03  }
0x11e: {  	[timem:s3], [sflag:s2] =	dma.local @!p0 [hbm:s0], s1  }
0x11f: {  	s0 =	simm.s32 @!p0 $0x3  }
0x120: {  	_ =	swait.ge @!p0 [sflag:s0], s1  }
0x121: {  	s1 =	ssub.s32 @!p0 $0x0, s1;
	[sflag:s0] =	ssyncset.done @!p0 $0x0  }
0x122: {  	[sflag:s0] =	ssyncadd.s32 @!p0 s1  }
0x123: {  	[bflag:$0x3] =	sbarrier.arrive $0xFFFF  }
0x124: {  	_ =	shalt  }

</sc_bundles>
